<compile_context>
chip_gen: v7x
topology: tpu7x:2x2x1
jax: 0.10.2.dev20260603
libtpu: 0.0.44.dev20260713+nightly
codegen_flags: <defaults>
</compile_context>

<pallas_src>
import functools

import jax
import jax.numpy as jnp
from jax import lax
from jax.experimental import pallas as pl
from jax.experimental.pallas import tpu as pltpu
from jax.experimental.pallas import tpu_sc as plsc

D_MODEL = 2048
BATCH = 4
SEQ = 8192
N_ROWS = BATCH * SEQ
NUM_CORES = 2
NUM_SUBCORES = 16
NW = NUM_CORES * NUM_SUBCORES
RPW = N_ROWS // NW
WPB = SEQ // RPW
K = 16
CHUNKS = RPW // K
NBUF = 3
LOOPS = (CHUNKS - 1) // NBUF


@functools.partial(
    pl.kernel,
    out_type=jax.ShapeDtypeStruct((BATCH, SEQ, 1, D_MODEL), jnp.float32),
    mesh=plsc.VectorSubcoreMesh(core_axis_name="c", subcore_axis_name="s"),
    scratch_types=[
        pltpu.VMEM((RPW,), jnp.int32),
        [pltpu.VMEM((K, 1, D_MODEL), jnp.float32)] * NBUF,
        [pltpu.SemaphoreType.DMA] * NBUF,
        [pltpu.SemaphoreType.DMA] * NBUF,
    ],
)
def _sc_gather(pos_hbm, pe_hbm, out_hbm, idx_v, bufs, gsems, wsems):
    wid = lax.axis_index("s") * NUM_CORES + lax.axis_index("c")
    b = wid // WPB
    s0 = (wid % WPB) * RPW
    pltpu.sync_copy(pos_hbm.at[pl.ds(wid * RPW, RPW)], idx_v)

    def start_gather(i, p):
        idx_chunk = idx_v.at[pl.ds(i * K, K)]
        pltpu.async_copy(pe_hbm.at[idx_chunk], bufs[p].at[:, 0, :], gsems[p])

    def wait_gather(i, p):
        idx_chunk = idx_v.at[pl.ds(i * K, K)]
        pltpu.make_async_copy(
            pe_hbm.at[idx_chunk], bufs[p].at[:, 0, :], gsems[p]).wait()

    def start_wb(i, p):
        pltpu.async_copy(bufs[p], out_hbm.at[b, pl.ds(s0 + i * K, K)], wsems[p])

    def drain_wb(p):
        pltpu.make_async_copy(bufs[p], out_hbm.at[b, pl.ds(s0, K)], wsems[p]).wait()

    start_gather(0, 0)
    start_gather(1, 1)

    def ring_body(j, carry):
        for p in range(NBUF):
            i = NBUF * j + p
            q = (p + 2) % NBUF
            wait_gather(i, p)
            if p == 0:
                @pl.when(j > 0)
                def _():
                    drain_wb(q)
            else:
                drain_wb(q)

            start_wb(i, p)

            @pl.when(i + 2 < CHUNKS)
            def _():
                start_gather(i + 2, q)
        return carry

    lax.fori_loop(0, LOOPS, ring_body, 0)

    last = CHUNKS - 1
    wait_gather(last, 0)
    start_wb(last, 0)
    drain_wb(2)
    drain_wb(0)


def kernel(pos, pe):
    return _sc_gather(pos.reshape(N_ROWS), pe)

# --- scband reference (transcript-rebuilt; emitter-appended) ---
"""Pipeline reference for scband-sinusoidal-pos-embedding-79757542687114 (READ-ONLY COPY).

The authoritative reference and input builder live on the scoring server;
editing this copy changes nothing except your own understanding.
"""

import jax, jax.numpy as jnp
import numpy as np

D_MODEL = 2048
MAX_LEN = 8192
BATCH = 4
SEQ = 8192


def make_pe(max_len, d_model):
    position = np.arange(max_len, dtype=np.float32)[:, None]
    div_term = np.exp(np.arange(0, d_model, 2, dtype=np.float32) * (-np.log(10000.0) / d_model))
    pe = np.zeros((max_len, d_model), dtype=np.float32)
    pe[:, 0::2] = np.sin(position * div_term)
    pe[:, 1::2] = np.cos(position * div_term)
    return jnp.asarray(pe)


def setup_inputs(seed: int = 0) -> dict:
    key = jax.random.key(seed)
    pos = jax.random.randint(key, (BATCH, SEQ, 1), 0, MAX_LEN, dtype=jnp.int32)
    pe = make_pe(MAX_LEN, D_MODEL)
    return {"pos": pos, "pe": pe}


def reference(pos, pe):
    # pos: int[B, S, 1] -> squeeze last dim
    p = jnp.squeeze(pos, axis=-1)            # [B, S]
    pe_out = jnp.take(pe, p, axis=0)         # [B, S, d_model] gather
    pe_out = pe_out[:, :, None, :]           # unsqueeze(2) -> [B, S, 1, d_model]
    return pe_out

if __name__ == "__main__":
    import jax
    _d = setup_inputs()
    print(jax.jit(kernel)(*tuple(_d.values())))

</pallas_src>

<mosaic_0001>
#map = affine_map<(d0, d1) -> (0)>
#map1 = affine_map<(d0, d1) -> (0, 0)>
#map2 = affine_map<(d0, d1) -> (0, 0, 0, 0)>
module attributes {stable_mosaic.version = 14 : i64} {
  func.func @_sc_gather(%arg0: i32, %arg1: i32, %arg2: memref<32768xi32, #tpu.memory_space<hbm>>, %arg3: memref<8192x2048xf32, #tpu.memory_space<hbm>>, %arg4: memref<4x8192x1x2048xf32, #tpu.memory_space<hbm>>, %arg5: memref<1024xi32, #tpu.memory_space<vmem>>, %arg6: memref<16x1x2048xf32, #tpu.memory_space<vmem>>, %arg7: memref<16x1x2048xf32, #tpu.memory_space<vmem>>, %arg8: memref<16x1x2048xf32, #tpu.memory_space<vmem>>, %arg9: memref<!tpu.dma_semaphore, #tpu.memory_space<semaphore_mem>>, %arg10: memref<!tpu.dma_semaphore, #tpu.memory_space<semaphore_mem>>, %arg11: memref<!tpu.dma_semaphore, #tpu.memory_space<semaphore_mem>>, %arg12: memref<!tpu.dma_semaphore, #tpu.memory_space<semaphore_mem>>, %arg13: memref<!tpu.dma_semaphore, #tpu.memory_space<semaphore_mem>>, %arg14: memref<!tpu.dma_semaphore, #tpu.memory_space<semaphore_mem>>) attributes {dimension_semantics = [#tpu.dimension_semantics<core_parallel>, #tpu.dimension_semantics<subcore_parallel>], iteration_bounds = array<i64: 2, 16>, scalar_prefetch = 0 : i64, scratch_operands = 10 : i64, tpu.core_type = #tpu.core_type<sc_vector_subcore>, window_params = [{transform_indices = #map}, {transform_indices = #map1}, {transform_indices = #map2}]} {
    %mul3A = arith.constant 2 : i32
    %mul3A_0 = arith.muli %arg1, %mul3A : i32
    %add3A = arith.addi %mul3A_0, %arg0 : i32
    %jit3A = arith.constant 8 : i32
    %div3A = arith.divsi %add3A, %jit3A : i32
    %sign3A = arith.constant 0 : i32
    %sign3A_1 = arith.cmpi sgt, %add3A, %sign3A : i32
    %sign3A_2 = arith.extui %sign3A_1 : i1 to i32
    %sign3A_3 = arith.constant 0 : i32
    %sign3A_4 = arith.cmpi slt, %add3A, %sign3A_3 : i32
    %sign3A_5 = arith.extui %sign3A_4 : i1 to i32
    %sign3A_6 = arith.subi %sign3A_2, %sign3A_5 : i32
    %sign3A_7 = arith.constant 0 : i32
    %sign3A_8 = arith.cmpi sgt, %jit3A, %sign3A_7 : i32
    %sign3A_9 = arith.extui %sign3A_8 : i1 to i32
    %sign3A_10 = arith.constant 0 : i32
    %sign3A_11 = arith.cmpi slt, %jit3A, %sign3A_10 : i32
    %sign3A_12 = arith.extui %sign3A_11 : i1 to i32
    %sign3A_13 = arith.subi %sign3A_9, %sign3A_12 : i32
    %ne3A = arith.cmpi ne, %sign3A_6, %sign3A_13 : i32
    %rem3A = arith.remsi %add3A, %jit3A : i32
    %ne3A_14 = arith.constant 0 : i32
    %ne3A_15 = arith.cmpi ne, %rem3A, %ne3A_14 : i32
    %and3A = arith.andi %ne3A, %ne3A_15 : i1
    %sub3A = arith.constant 1 : i32
    %sub3A_16 = arith.subi %div3A, %sub3A : i32
    %select_n3A = arith.select %and3A, %sub3A_16, %div3A : i32
    %jit3A_17 = arith.constant 8 : i32
    %eq3A = arith.constant 0 : i32
    %eq3A_18 = arith.cmpi eq, %jit3A_17, %eq3A : i32
    %jit3A_19 = arith.constant 1 : i32
    %select_n3A_20 = arith.select %eq3A_18, %jit3A_19, %jit3A_17 : i32
    %rem3A_21 = arith.remsi %add3A, %select_n3A_20 : i32
    %ne3A_22 = arith.constant 0 : i32
    %ne3A_23 = arith.cmpi ne, %rem3A_21, %ne3A_22 : i32
    %lt3A = arith.constant 0 : i32
    %lt3A_24 = arith.cmpi slt, %rem3A_21, %lt3A : i32
    %lt3A_25 = arith.constant 0 : i32
    %lt3A_26 = arith.cmpi slt, %select_n3A_20, %lt3A_25 : i32
    %ne3A_27 = arith.xori %lt3A_24, %lt3A_26 : i1
    %and3A_28 = arith.andi %ne3A_27, %ne3A_23 : i1
    %add3A_29 = arith.addi %rem3A_21, %select_n3A_20 : i32
    %select_n3A_30 = arith.select %and3A_28, %add3A_29, %rem3A_21 : i32
    %mul3A_31 = arith.constant 1024 : i32
    %mul3A_32 = arith.muli %select_n3A_30, %mul3A_31 : i32
    %mul3A_33 = arith.constant 1024 : i32
    %mul3A_34 = arith.muli %add3A, %mul3A_33 : i32
    "tpu.region"() ({
      %run_scoped3A = tpu.sem_alloc : memref<!tpu.dma_semaphore, #tpu.memory_space<semaphore_mem>>
      %dma_start3A_94 = tpu.memref_slice %arg2[%mul3A_34] : memref<32768xi32, #tpu.memory_space<hbm>> -> memref<1024xi32, #tpu.memory_space<hbm>>
      %dma_start3A_95 = tpu.memref_slice %arg2[%mul3A_34] : memref<32768xi32, #tpu.memory_space<hbm>> -> memref<1024xi32, #tpu.memory_space<hbm>>
      tpu.enqueue_dma source(%dma_start3A_95 : memref<1024xi32, #tpu.memory_space<hbm>>) target(%arg5 : memref<1024xi32, #tpu.memory_space<vmem>>) target_semaphore(%run_scoped3A : memref<!tpu.dma_semaphore, #tpu.memory_space<semaphore_mem>>)
      %dma_wait3A_96 = tpu.memref_slice %arg2[%mul3A_34] : memref<32768xi32, #tpu.memory_space<hbm>> -> memref<1024xi32, #tpu.memory_space<hbm>>
      %dma_wait3A_97 = tpu.memref_slice %arg2[%mul3A_34] : memref<32768xi32, #tpu.memory_space<hbm>> -> memref<1024xi32, #tpu.memory_space<hbm>>
      tpu.wait_dma2 semaphore(%run_scoped3A : memref<!tpu.dma_semaphore, #tpu.memory_space<semaphore_mem>>) src(%dma_wait3A_97 : memref<1024xi32, #tpu.memory_space<hbm>>) dst(%arg5 : memref<1024xi32, #tpu.memory_space<vmem>>)
      tpu.yield
    }) : () -> ()
    %dma_start3A = arith.constant 0 : i32
    %dma_start3A_35 = arith.constant 0 : i32
    %dma_start3A_36 = arith.constant 0 : i32
    %dma_start3A_37 = tpu.memref_slice %arg6[%dma_start3A_35, %dma_start3A, %dma_start3A_36] : memref<16x1x2048xf32, #tpu.memory_space<vmem>> -> memref<16x1x2048xf32, #tpu.memory_space<vmem>>
    %dma_start3A_38 = tpu.memref_squeeze %dma_start3A_37 : memref<16x1x2048xf32, #tpu.memory_space<vmem>> -> memref<16x2048xf32, #tpu.memory_space<vmem>>
    %dma_start3A_39 = arith.constant 0 : i32
    %dma_start3A_40 = tpu.memref_slice %arg5[%dma_start3A_39] : memref<1024xi32, #tpu.memory_space<vmem>> -> memref<16xi32, #tpu.memory_space<vmem>>
    %dma_start3A_41 = arith.constant 0 : i32
    %dma_start3A_42 = arith.constant 0 : i32
    %dma_start3A_43 = tpu.memref_slice %arg3[%dma_start3A_41, %dma_start3A_42] : memref<8192x2048xf32, #tpu.memory_space<hbm>> -> memref<8192x2048xf32, #tpu.memory_space<hbm>>
    tpu.enqueue_indirect_dma source(%dma_start3A_43 : memref<8192x2048xf32, #tpu.memory_space<hbm>>) target(%dma_start3A_38 : memref<16x2048xf32, #tpu.memory_space<vmem>>) offsets(%dma_start3A_40 : memref<16xi32, #tpu.memory_space<vmem>>) semaphore(%arg9 : memref<!tpu.dma_semaphore, #tpu.memory_space<semaphore_mem>>)
    %dma_start3A_44 = arith.constant 0 : i32
    %dma_start3A_45 = arith.constant 0 : i32
    %dma_start3A_46 = arith.constant 0 : i32
    %dma_start3A_47 = tpu.memref_slice %arg7[%dma_start3A_45, %dma_start3A_44, %dma_start3A_46] : memref<16x1x2048xf32, #tpu.memory_space<vmem>> -> memref<16x1x2048xf32, #tpu.memory_space<vmem>>
    %dma_start3A_48 = tpu.memref_squeeze %dma_start3A_47 : memref<16x1x2048xf32, #tpu.memory_space<vmem>> -> memref<16x2048xf32, #tpu.memory_space<vmem>>
    %dma_start3A_49 = arith.constant 16 : i32
    %dma_start3A_50 = tpu.memref_slice %arg5[%dma_start3A_49] : memref<1024xi32, #tpu.memory_space<vmem>> -> memref<16xi32, #tpu.memory_space<vmem>>
    %dma_start3A_51 = arith.constant 0 : i32
    %dma_start3A_52 = arith.constant 0 : i32
    %dma_start3A_53 = tpu.memref_slice %arg3[%dma_start3A_51, %dma_start3A_52] : memref<8192x2048xf32, #tpu.memory_space<hbm>> -> memref<8192x2048xf32, #tpu.memory_space<hbm>>
    tpu.enqueue_indirect_dma source(%dma_start3A_53 : memref<8192x2048xf32, #tpu.memory_space<hbm>>) target(%dma_start3A_48 : memref<16x2048xf32, #tpu.memory_space<vmem>>) offsets(%dma_start3A_50 : memref<16xi32, #tpu.memory_space<vmem>>) semaphore(%arg10 : memref<!tpu.dma_semaphore, #tpu.memory_space<semaphore_mem>>)
    %scan3A = arith.constant 0 : i32
    %scan3A_54 = arith.constant 0 : i32
    %scan3A_55 = arith.constant 21 : i32
    %scan3A_56 = arith.addi %scan3A_54, %scan3A_55 : i32
    %scan3A_57 = arith.constant 1 : i32
    scf.for %scan3A_94 = %scan3A_54 to %scan3A_56 step %scan3A_57  : i32 {
      %mul3A_95 = arith.constant 3 : i32
      %mul3A_96 = arith.muli %mul3A_95, %scan3A_94 : i32
      %add3A_97 = arith.constant 0 : i32
      %add3A_98 = arith.addi %mul3A_96, %add3A_97 : i32
      %mul3A_99 = arith.constant 16 : i32
      %mul3A_100 = arith.muli %add3A_98, %mul3A_99 : i32
      %dma_wait3A_101 = arith.constant 0 : i32
      %dma_wait3A_102 = arith.constant 0 : i32
      %dma_wait3A_103 = arith.constant 0 : i32
      %dma_wait3A_104 = tpu.memref_slice %arg6[%dma_wait3A_102, %dma_wait3A_101, %dma_wait3A_103] : memref<16x1x2048xf32, #tpu.memory_space<vmem>> -> memref<16x1x2048xf32, #tpu.memory_space<vmem>>
      %dma_wait3A_105 = tpu.memref_squeeze %dma_wait3A_104 : memref<16x1x2048xf32, #tpu.memory_space<vmem>> -> memref<16x2048xf32, #tpu.memory_space<vmem>>
      %dma_wait3A_106 = tpu.memref_slice %arg5[%mul3A_100] : memref<1024xi32, #tpu.memory_space<vmem>> -> memref<16xi32, #tpu.memory_space<vmem>>
      %dma_wait3A_107 = arith.constant 0 : i32
      %dma_wait3A_108 = arith.constant 0 : i32
      %dma_wait3A_109 = tpu.memref_slice %arg3[%dma_wait3A_107, %dma_wait3A_108] : memref<8192x2048xf32, #tpu.memory_space<hbm>> -> memref<8192x2048xf32, #tpu.memory_space<hbm>>
      tpu.wait_indirect_dma semaphore(%arg9 : memref<!tpu.dma_semaphore, #tpu.memory_space<semaphore_mem>>) src(%dma_wait3A_109 : memref<8192x2048xf32, #tpu.memory_space<hbm>>) dst(%dma_wait3A_105 : memref<16x2048xf32, #tpu.memory_space<vmem>>)
      %gt3A = arith.constant 0 : i32
      %gt3A_110 = arith.cmpi sgt, %scan3A_94, %gt3A : i32
      %convert_element_type3A = arith.extui %gt3A_110 : i1 to i32
      %cond3A = arith.constant 0 : i32
      %cond3A_111 = arith.cmpi ne, %convert_element_type3A, %cond3A : i32
      scf.if %cond3A_111 {
        %dma_wait3A_212 = arith.constant 0 : i32
        %dma_wait3A_213 = arith.constant 0 : i32
        %dma_wait3A_214 = tpu.memref_slice %arg4[%select_n3A, %mul3A_32, %dma_wait3A_212, %dma_wait3A_213] : memref<4x8192x1x2048xf32, #tpu.memory_space<hbm>> -> memref<1x16x1x2048xf32, #tpu.memory_space<hbm>>
        %dma_wait3A_215 = tpu.memref_squeeze %dma_wait3A_214 : memref<1x16x1x2048xf32, #tpu.memory_space<hbm>> -> memref<16x1x2048xf32, #tpu.memory_space<hbm>>
        %dma_wait3A_216 = arith.constant 0 : i32
        %dma_wait3A_217 = arith.constant 0 : i32
        %dma_wait3A_218 = tpu.memref_slice %arg4[%select_n3A, %mul3A_32, %dma_wait3A_216, %dma_wait3A_217] : memref<4x8192x1x2048xf32, #tpu.memory_space<hbm>> -> memref<1x16x1x2048xf32, #tpu.memory_space<hbm>>
        %dma_wait3A_219 = tpu.memref_squeeze %dma_wait3A_218 : memref<1x16x1x2048xf32, #tpu.memory_space<hbm>> -> memref<16x1x2048xf32, #tpu.memory_space<hbm>>
        tpu.wait_dma2 semaphore(%arg14 : memref<!tpu.dma_semaphore, #tpu.memory_space<semaphore_mem>>) src(%arg8 : memref<16x1x2048xf32, #tpu.memory_space<vmem>>) dst(%dma_wait3A_219 : memref<16x1x2048xf32, #tpu.memory_space<hbm>>)
      } else {
      }
      %mul3A_112 = arith.constant 16 : i32
      %mul3A_113 = arith.muli %add3A_98, %mul3A_112 : i32
      %add3A_114 = arith.addi %mul3A_32, %mul3A_113 : i32
      %dma_start3A_115 = arith.constant 0 : i32
      %dma_start3A_116 = arith.constant 0 : i32
      %dma_start3A_117 = tpu.memref_slice %arg4[%select_n3A, %add3A_114, %dma_start3A_115, %dma_start3A_116] : memref<4x8192x1x2048xf32, #tpu.memory_space<hbm>> -> memref<1x16x1x2048xf32, #tpu.memory_space<hbm>>
      %dma_start3A_118 = tpu.memref_squeeze %dma_start3A_117 : memref<1x16x1x2048xf32, #tpu.memory_space<hbm>> -> memref<16x1x2048xf32, #tpu.memory_space<hbm>>
      %dma_start3A_119 = arith.constant 0 : i32
      %dma_start3A_120 = arith.constant 0 : i32
      %dma_start3A_121 = tpu.memref_slice %arg4[%select_n3A, %add3A_114, %dma_start3A_119, %dma_start3A_120] : memref<4x8192x1x2048xf32, #tpu.memory_space<hbm>> -> memref<1x16x1x2048xf32, #tpu.memory_space<hbm>>
      %dma_start3A_122 = tpu.memref_squeeze %dma_start3A_121 : memref<1x16x1x2048xf32, #tpu.memory_space<hbm>> -> memref<16x1x2048xf32, #tpu.memory_space<hbm>>
      tpu.enqueue_dma source(%arg6 : memref<16x1x2048xf32, #tpu.memory_space<vmem>>) target(%dma_start3A_122 : memref<16x1x2048xf32, #tpu.memory_space<hbm>>) target_semaphore(%arg12 : memref<!tpu.dma_semaphore, #tpu.memory_space<semaphore_mem>>)
      %add3A_123 = arith.constant 2 : i32
      %add3A_124 = arith.addi %add3A_98, %add3A_123 : i32
      %lt3A_125 = arith.constant 64 : i32
      %lt3A_126 = arith.cmpi slt, %add3A_124, %lt3A_125 : i32
      %convert_element_type3A_127 = arith.extui %lt3A_126 : i1 to i32
      %cond3A_128 = arith.constant 0 : i32
      %cond3A_129 = arith.cmpi ne, %convert_element_type3A_127, %cond3A_128 : i32
      scf.if %cond3A_129 {
        %add3A_212 = arith.constant 2 : i32
        %add3A_213 = arith.addi %add3A_98, %add3A_212 : i32
        %mul3A_214 = arith.constant 16 : i32
        %mul3A_215 = arith.muli %add3A_213, %mul3A_214 : i32
        %dma_start3A_216 = arith.constant 0 : i32
        %dma_start3A_217 = arith.constant 0 : i32
        %dma_start3A_218 = arith.constant 0 : i32
        %dma_start3A_219 = tpu.memref_slice %arg8[%dma_start3A_217, %dma_start3A_216, %dma_start3A_218] : memref<16x1x2048xf32, #tpu.memory_space<vmem>> -> memref<16x1x2048xf32, #tpu.memory_space<vmem>>
        %dma_start3A_220 = tpu.memref_squeeze %dma_start3A_219 : memref<16x1x2048xf32, #tpu.memory_space<vmem>> -> memref<16x2048xf32, #tpu.memory_space<vmem>>
        %dma_start3A_221 = tpu.memref_slice %arg5[%mul3A_215] : memref<1024xi32, #tpu.memory_space<vmem>> -> memref<16xi32, #tpu.memory_space<vmem>>
        %dma_start3A_222 = arith.constant 0 : i32
        %dma_start3A_223 = arith.constant 0 : i32
        %dma_start3A_224 = tpu.memref_slice %arg3[%dma_start3A_222, %dma_start3A_223] : memref<8192x2048xf32, #tpu.memory_space<hbm>> -> memref<8192x2048xf32, #tpu.memory_space<hbm>>
        tpu.enqueue_indirect_dma source(%dma_start3A_224 : memref<8192x2048xf32, #tpu.memory_space<hbm>>) target(%dma_start3A_220 : memref<16x2048xf32, #tpu.memory_space<vmem>>) offsets(%dma_start3A_221 : memref<16xi32, #tpu.memory_space<vmem>>) semaphore(%arg11 : memref<!tpu.dma_semaphore, #tpu.memory_space<semaphore_mem>>)
      } else {
      }
      %mul3A_130 = arith.constant 3 : i32
      %mul3A_131 = arith.muli %mul3A_130, %scan3A_94 : i32
      %add3A_132 = arith.constant 1 : i32
      %add3A_133 = arith.addi %mul3A_131, %add3A_132 : i32
      %mul3A_134 = arith.constant 16 : i32
      %mul3A_135 = arith.muli %add3A_133, %mul3A_134 : i32
      %dma_wait3A_136 = arith.constant 0 : i32
      %dma_wait3A_137 = arith.constant 0 : i32
      %dma_wait3A_138 = arith.constant 0 : i32
      %dma_wait3A_139 = tpu.memref_slice %arg7[%dma_wait3A_137, %dma_wait3A_136, %dma_wait3A_138] : memref<16x1x2048xf32, #tpu.memory_space<vmem>> -> memref<16x1x2048xf32, #tpu.memory_space<vmem>>
      %dma_wait3A_140 = tpu.memref_squeeze %dma_wait3A_139 : memref<16x1x2048xf32, #tpu.memory_space<vmem>> -> memref<16x2048xf32, #tpu.memory_space<vmem>>
      %dma_wait3A_141 = tpu.memref_slice %arg5[%mul3A_135] : memref<1024xi32, #tpu.memory_space<vmem>> -> memref<16xi32, #tpu.memory_space<vmem>>
      %dma_wait3A_142 = arith.constant 0 : i32
      %dma_wait3A_143 = arith.constant 0 : i32
      %dma_wait3A_144 = tpu.memref_slice %arg3[%dma_wait3A_142, %dma_wait3A_143] : memref<8192x2048xf32, #tpu.memory_space<hbm>> -> memref<8192x2048xf32, #tpu.memory_space<hbm>>
      tpu.wait_indirect_dma semaphore(%arg10 : memref<!tpu.dma_semaphore, #tpu.memory_space<semaphore_mem>>) src(%dma_wait3A_144 : memref<8192x2048xf32, #tpu.memory_space<hbm>>) dst(%dma_wait3A_140 : memref<16x2048xf32, #tpu.memory_space<vmem>>)
      %dma_wait3A_145 = arith.constant 0 : i32
      %dma_wait3A_146 = arith.constant 0 : i32
      %dma_wait3A_147 = tpu.memref_slice %arg4[%select_n3A, %mul3A_32, %dma_wait3A_145, %dma_wait3A_146] : memref<4x8192x1x2048xf32, #tpu.memory_space<hbm>> -> memref<1x16x1x2048xf32, #tpu.memory_space<hbm>>
      %dma_wait3A_148 = tpu.memref_squeeze %dma_wait3A_147 : memref<1x16x1x2048xf32, #tpu.memory_space<hbm>> -> memref<16x1x2048xf32, #tpu.memory_space<hbm>>
      %dma_wait3A_149 = arith.constant 0 : i32
      %dma_wait3A_150 = arith.constant 0 : i32
      %dma_wait3A_151 = tpu.memref_slice %arg4[%select_n3A, %mul3A_32, %dma_wait3A_149, %dma_wait3A_150] : memref<4x8192x1x2048xf32, #tpu.memory_space<hbm>> -> memref<1x16x1x2048xf32, #tpu.memory_space<hbm>>
      %dma_wait3A_152 = tpu.memref_squeeze %dma_wait3A_151 : memref<1x16x1x2048xf32, #tpu.memory_space<hbm>> -> memref<16x1x2048xf32, #tpu.memory_space<hbm>>
      tpu.wait_dma2 semaphore(%arg12 : memref<!tpu.dma_semaphore, #tpu.memory_space<semaphore_mem>>) src(%arg6 : memref<16x1x2048xf32, #tpu.memory_space<vmem>>) dst(%dma_wait3A_152 : memref<16x1x2048xf32, #tpu.memory_space<hbm>>)
      %mul3A_153 = arith.constant 16 : i32
      %mul3A_154 = arith.muli %add3A_133, %mul3A_153 : i32
      %add3A_155 = arith.addi %mul3A_32, %mul3A_154 : i32
      %dma_start3A_156 = arith.constant 0 : i32
      %dma_start3A_157 = arith.constant 0 : i32
      %dma_start3A_158 = tpu.memref_slice %arg4[%select_n3A, %add3A_155, %dma_start3A_156, %dma_start3A_157] : memref<4x8192x1x2048xf32, #tpu.memory_space<hbm>> -> memref<1x16x1x2048xf32, #tpu.memory_space<hbm>>
      %dma_start3A_159 = tpu.memref_squeeze %dma_start3A_158 : memref<1x16x1x2048xf32, #tpu.memory_space<hbm>> -> memref<16x1x2048xf32, #tpu.memory_space<hbm>>
      %dma_start3A_160 = arith.constant 0 : i32
      %dma_start3A_161 = arith.constant 0 : i32
      %dma_start3A_162 = tpu.memref_slice %arg4[%select_n3A, %add3A_155, %dma_start3A_160, %dma_start3A_161] : memref<4x8192x1x2048xf32, #tpu.memory_space<hbm>> -> memref<1x16x1x2048xf32, #tpu.memory_space<hbm>>
      %dma_start3A_163 = tpu.memref_squeeze %dma_start3A_162 : memref<1x16x1x2048xf32, #tpu.memory_space<hbm>> -> memref<16x1x2048xf32, #tpu.memory_space<hbm>>
      tpu.enqueue_dma source(%arg7 : memref<16x1x2048xf32, #tpu.memory_space<vmem>>) target(%dma_start3A_163 : memref<16x1x2048xf32, #tpu.memory_space<hbm>>) target_semaphore(%arg13 : memref<!tpu.dma_semaphore, #tpu.memory_space<semaphore_mem>>)
      %add3A_164 = arith.constant 2 : i32
      %add3A_165 = arith.addi %add3A_133, %add3A_164 : i32
      %lt3A_166 = arith.constant 64 : i32
      %lt3A_167 = arith.cmpi slt, %add3A_165, %lt3A_166 : i32
      %convert_element_type3A_168 = arith.extui %lt3A_167 : i1 to i32
      %cond3A_169 = arith.constant 0 : i32
      %cond3A_170 = arith.cmpi ne, %convert_element_type3A_168, %cond3A_169 : i32
      scf.if %cond3A_170 {
        %add3A_212 = arith.constant 2 : i32
        %add3A_213 = arith.addi %add3A_133, %add3A_212 : i32
        %mul3A_214 = arith.constant 16 : i32
        %mul3A_215 = arith.muli %add3A_213, %mul3A_214 : i32
        %dma_start3A_216 = arith.constant 0 : i32
        %dma_start3A_217 = arith.constant 0 : i32
        %dma_start3A_218 = arith.constant 0 : i32
        %dma_start3A_219 = tpu.memref_slice %arg6[%dma_start3A_217, %dma_start3A_216, %dma_start3A_218] : memref<16x1x2048xf32, #tpu.memory_space<vmem>> -> memref<16x1x2048xf32, #tpu.memory_space<vmem>>
        %dma_start3A_220 = tpu.memref_squeeze %dma_start3A_219 : memref<16x1x2048xf32, #tpu.memory_space<vmem>> -> memref<16x2048xf32, #tpu.memory_space<vmem>>
        %dma_start3A_221 = tpu.memref_slice %arg5[%mul3A_215] : memref<1024xi32, #tpu.memory_space<vmem>> -> memref<16xi32, #tpu.memory_space<vmem>>
        %dma_start3A_222 = arith.constant 0 : i32
        %dma_start3A_223 = arith.constant 0 : i32
        %dma_start3A_224 = tpu.memref_slice %arg3[%dma_start3A_222, %dma_start3A_223] : memref<8192x2048xf32, #tpu.memory_space<hbm>> -> memref<8192x2048xf32, #tpu.memory_space<hbm>>
        tpu.enqueue_indirect_dma source(%dma_start3A_224 : memref<8192x2048xf32, #tpu.memory_space<hbm>>) target(%dma_start3A_220 : memref<16x2048xf32, #tpu.memory_space<vmem>>) offsets(%dma_start3A_221 : memref<16xi32, #tpu.memory_space<vmem>>) semaphore(%arg9 : memref<!tpu.dma_semaphore, #tpu.memory_space<semaphore_mem>>)
      } else {
      }
      %mul3A_171 = arith.constant 3 : i32
      %mul3A_172 = arith.muli %mul3A_171, %scan3A_94 : i32
      %add3A_173 = arith.constant 2 : i32
      %add3A_174 = arith.addi %mul3A_172, %add3A_173 : i32
      %mul3A_175 = arith.constant 16 : i32
      %mul3A_176 = arith.muli %add3A_174, %mul3A_175 : i32
      %dma_wait3A_177 = arith.constant 0 : i32
      %dma_wait3A_178 = arith.constant 0 : i32
      %dma_wait3A_179 = arith.constant 0 : i32
      %dma_wait3A_180 = tpu.memref_slice %arg8[%dma_wait3A_178, %dma_wait3A_177, %dma_wait3A_179] : memref<16x1x2048xf32, #tpu.memory_space<vmem>> -> memref<16x1x2048xf32, #tpu.memory_space<vmem>>
      %dma_wait3A_181 = tpu.memref_squeeze %dma_wait3A_180 : memref<16x1x2048xf32, #tpu.memory_space<vmem>> -> memref<16x2048xf32, #tpu.memory_space<vmem>>
      %dma_wait3A_182 = tpu.memref_slice %arg5[%mul3A_176] : memref<1024xi32, #tpu.memory_space<vmem>> -> memref<16xi32, #tpu.memory_space<vmem>>
      %dma_wait3A_183 = arith.constant 0 : i32
      %dma_wait3A_184 = arith.constant 0 : i32
      %dma_wait3A_185 = tpu.memref_slice %arg3[%dma_wait3A_183, %dma_wait3A_184] : memref<8192x2048xf32, #tpu.memory_space<hbm>> -> memref<8192x2048xf32, #tpu.memory_space<hbm>>
      tpu.wait_indirect_dma semaphore(%arg11 : memref<!tpu.dma_semaphore, #tpu.memory_space<semaphore_mem>>) src(%dma_wait3A_185 : memref<8192x2048xf32, #tpu.memory_space<hbm>>) dst(%dma_wait3A_181 : memref<16x2048xf32, #tpu.memory_space<vmem>>)
      %dma_wait3A_186 = arith.constant 0 : i32
      %dma_wait3A_187 = arith.constant 0 : i32
      %dma_wait3A_188 = tpu.memref_slice %arg4[%select_n3A, %mul3A_32, %dma_wait3A_186, %dma_wait3A_187] : memref<4x8192x1x2048xf32, #tpu.memory_space<hbm>> -> memref<1x16x1x2048xf32, #tpu.memory_space<hbm>>
      %dma_wait3A_189 = tpu.memref_squeeze %dma_wait3A_188 : memref<1x16x1x2048xf32, #tpu.memory_space<hbm>> -> memref<16x1x2048xf32, #tpu.memory_space<hbm>>
      %dma_wait3A_190 = arith.constant 0 : i32
      %dma_wait3A_191 = arith.constant 0 : i32
      %dma_wait3A_192 = tpu.memref_slice %arg4[%select_n3A, %mul3A_32, %dma_wait3A_190, %dma_wait3A_191] : memref<4x8192x1x2048xf32, #tpu.memory_space<hbm>> -> memref<1x16x1x2048xf32, #tpu.memory_space<hbm>>
      %dma_wait3A_193 = tpu.memref_squeeze %dma_wait3A_192 : memref<1x16x1x2048xf32, #tpu.memory_space<hbm>> -> memref<16x1x2048xf32, #tpu.memory_space<hbm>>
      tpu.wait_dma2 semaphore(%arg13 : memref<!tpu.dma_semaphore, #tpu.memory_space<semaphore_mem>>) src(%arg7 : memref<16x1x2048xf32, #tpu.memory_space<vmem>>) dst(%dma_wait3A_193 : memref<16x1x2048xf32, #tpu.memory_space<hbm>>)
      %mul3A_194 = arith.constant 16 : i32
      %mul3A_195 = arith.muli %add3A_174, %mul3A_194 : i32
      %add3A_196 = arith.addi %mul3A_32, %mul3A_195 : i32
      %dma_start3A_197 = arith.constant 0 : i32
      %dma_start3A_198 = arith.constant 0 : i32
      %dma_start3A_199 = tpu.memref_slice %arg4[%select_n3A, %add3A_196, %dma_start3A_197, %dma_start3A_198] : memref<4x8192x1x2048xf32, #tpu.memory_space<hbm>> -> memref<1x16x1x2048xf32, #tpu.memory_space<hbm>>
      %dma_start3A_200 = tpu.memref_squeeze %dma_start3A_199 : memref<1x16x1x2048xf32, #tpu.memory_space<hbm>> -> memref<16x1x2048xf32, #tpu.memory_space<hbm>>
      %dma_start3A_201 = arith.constant 0 : i32
      %dma_start3A_202 = arith.constant 0 : i32
      %dma_start3A_203 = tpu.memref_slice %arg4[%select_n3A, %add3A_196, %dma_start3A_201, %dma_start3A_202] : memref<4x8192x1x2048xf32, #tpu.memory_space<hbm>> -> memref<1x16x1x2048xf32, #tpu.memory_space<hbm>>
      %dma_start3A_204 = tpu.memref_squeeze %dma_start3A_203 : memref<1x16x1x2048xf32, #tpu.memory_space<hbm>> -> memref<16x1x2048xf32, #tpu.memory_space<hbm>>
      tpu.enqueue_dma source(%arg8 : memref<16x1x2048xf32, #tpu.memory_space<vmem>>) target(%dma_start3A_204 : memref<16x1x2048xf32, #tpu.memory_space<hbm>>) target_semaphore(%arg14 : memref<!tpu.dma_semaphore, #tpu.memory_space<semaphore_mem>>)
      %add3A_205 = arith.constant 2 : i32
      %add3A_206 = arith.addi %add3A_174, %add3A_205 : i32
      %lt3A_207 = arith.constant 64 : i32
      %lt3A_208 = arith.cmpi slt, %add3A_206, %lt3A_207 : i32
      %convert_element_type3A_209 = arith.extui %lt3A_208 : i1 to i32
      %cond3A_210 = arith.constant 0 : i32
      %cond3A_211 = arith.cmpi ne, %convert_element_type3A_209, %cond3A_210 : i32
      scf.if %cond3A_211 {
        %add3A_212 = arith.constant 2 : i32
        %add3A_213 = arith.addi %add3A_174, %add3A_212 : i32
        %mul3A_214 = arith.constant 16 : i32
        %mul3A_215 = arith.muli %add3A_213, %mul3A_214 : i32
        %dma_start3A_216 = arith.constant 0 : i32
        %dma_start3A_217 = arith.constant 0 : i32
        %dma_start3A_218 = arith.constant 0 : i32
        %dma_start3A_219 = tpu.memref_slice %arg7[%dma_start3A_217, %dma_start3A_216, %dma_start3A_218] : memref<16x1x2048xf32, #tpu.memory_space<vmem>> -> memref<16x1x2048xf32, #tpu.memory_space<vmem>>
        %dma_start3A_220 = tpu.memref_squeeze %dma_start3A_219 : memref<16x1x2048xf32, #tpu.memory_space<vmem>> -> memref<16x2048xf32, #tpu.memory_space<vmem>>
        %dma_start3A_221 = tpu.memref_slice %arg5[%mul3A_215] : memref<1024xi32, #tpu.memory_space<vmem>> -> memref<16xi32, #tpu.memory_space<vmem>>
        %dma_start3A_222 = arith.constant 0 : i32
        %dma_start3A_223 = arith.constant 0 : i32
        %dma_start3A_224 = tpu.memref_slice %arg3[%dma_start3A_222, %dma_start3A_223] : memref<8192x2048xf32, #tpu.memory_space<hbm>> -> memref<8192x2048xf32, #tpu.memory_space<hbm>>
        tpu.enqueue_indirect_dma source(%dma_start3A_224 : memref<8192x2048xf32, #tpu.memory_space<hbm>>) target(%dma_start3A_220 : memref<16x2048xf32, #tpu.memory_space<vmem>>) offsets(%dma_start3A_221 : memref<16xi32, #tpu.memory_space<vmem>>) semaphore(%arg10 : memref<!tpu.dma_semaphore, #tpu.memory_space<semaphore_mem>>)
      } else {
      }
    }
    %scan3A_58 = arith.constant 21 : i32
    %dma_wait3A = arith.constant 0 : i32
    %dma_wait3A_59 = arith.constant 0 : i32
    %dma_wait3A_60 = arith.constant 0 : i32
    %dma_wait3A_61 = tpu.memref_slice %arg6[%dma_wait3A_59, %dma_wait3A, %dma_wait3A_60] : memref<16x1x2048xf32, #tpu.memory_space<vmem>> -> memref<16x1x2048xf32, #tpu.memory_space<vmem>>
    %dma_wait3A_62 = tpu.memref_squeeze %dma_wait3A_61 : memref<16x1x2048xf32, #tpu.memory_space<vmem>> -> memref<16x2048xf32, #tpu.memory_space<vmem>>
    %dma_wait3A_63 = arith.constant 1008 : i32
    %dma_wait3A_64 = tpu.memref_slice %arg5[%dma_wait3A_63] : memref<1024xi32, #tpu.memory_space<vmem>> -> memref<16xi32, #tpu.memory_space<vmem>>
    %dma_wait3A_65 = arith.constant 0 : i32
    %dma_wait3A_66 = arith.constant 0 : i32
    %dma_wait3A_67 = tpu.memref_slice %arg3[%dma_wait3A_65, %dma_wait3A_66] : memref<8192x2048xf32, #tpu.memory_space<hbm>> -> memref<8192x2048xf32, #tpu.memory_space<hbm>>
    tpu.wait_indirect_dma semaphore(%arg9 : memref<!tpu.dma_semaphore, #tpu.memory_space<semaphore_mem>>) src(%dma_wait3A_67 : memref<8192x2048xf32, #tpu.memory_space<hbm>>) dst(%dma_wait3A_62 : memref<16x2048xf32, #tpu.memory_space<vmem>>)
    %add3A_68 = arith.constant 1008 : i32
    %add3A_69 = arith.addi %mul3A_32, %add3A_68 : i32
    %dma_start3A_70 = arith.constant 0 : i32
    %dma_start3A_71 = arith.constant 0 : i32
    %dma_start3A_72 = tpu.memref_slice %arg4[%select_n3A, %add3A_69, %dma_start3A_70, %dma_start3A_71] : memref<4x8192x1x2048xf32, #tpu.memory_space<hbm>> -> memref<1x16x1x2048xf32, #tpu.memory_space<hbm>>
    %dma_start3A_73 = tpu.memref_squeeze %dma_start3A_72 : memref<1x16x1x2048xf32, #tpu.memory_space<hbm>> -> memref<16x1x2048xf32, #tpu.memory_space<hbm>>
    %dma_start3A_74 = arith.constant 0 : i32
    %dma_start3A_75 = arith.constant 0 : i32
    %dma_start3A_76 = tpu.memref_slice %arg4[%select_n3A, %add3A_69, %dma_start3A_74, %dma_start3A_75] : memref<4x8192x1x2048xf32, #tpu.memory_space<hbm>> -> memref<1x16x1x2048xf32, #tpu.memory_space<hbm>>
    %dma_start3A_77 = tpu.memref_squeeze %dma_start3A_76 : memref<1x16x1x2048xf32, #tpu.memory_space<hbm>> -> memref<16x1x2048xf32, #tpu.memory_space<hbm>>
    tpu.enqueue_dma source(%arg6 : memref<16x1x2048xf32, #tpu.memory_space<vmem>>) target(%dma_start3A_77 : memref<16x1x2048xf32, #tpu.memory_space<hbm>>) target_semaphore(%arg12 : memref<!tpu.dma_semaphore, #tpu.memory_space<semaphore_mem>>)
    %dma_wait3A_78 = arith.constant 0 : i32
    %dma_wait3A_79 = arith.constant 0 : i32
    %dma_wait3A_80 = tpu.memref_slice %arg4[%select_n3A, %mul3A_32, %dma_wait3A_78, %dma_wait3A_79] : memref<4x8192x1x2048xf32, #tpu.memory_space<hbm>> -> memref<1x16x1x2048xf32, #tpu.memory_space<hbm>>
    %dma_wait3A_81 = tpu.memref_squeeze %dma_wait3A_80 : memref<1x16x1x2048xf32, #tpu.memory_space<hbm>> -> memref<16x1x2048xf32, #tpu.memory_space<hbm>>
    %dma_wait3A_82 = arith.constant 0 : i32
    %dma_wait3A_83 = arith.constant 0 : i32
    %dma_wait3A_84 = tpu.memref_slice %arg4[%select_n3A, %mul3A_32, %dma_wait3A_82, %dma_wait3A_83] : memref<4x8192x1x2048xf32, #tpu.memory_space<hbm>> -> memref<1x16x1x2048xf32, #tpu.memory_space<hbm>>
    %dma_wait3A_85 = tpu.memref_squeeze %dma_wait3A_84 : memref<1x16x1x2048xf32, #tpu.memory_space<hbm>> -> memref<16x1x2048xf32, #tpu.memory_space<hbm>>
    tpu.wait_dma2 semaphore(%arg14 : memref<!tpu.dma_semaphore, #tpu.memory_space<semaphore_mem>>) src(%arg8 : memref<16x1x2048xf32, #tpu.memory_space<vmem>>) dst(%dma_wait3A_85 : memref<16x1x2048xf32, #tpu.memory_space<hbm>>)
    %dma_wait3A_86 = arith.constant 0 : i32
    %dma_wait3A_87 = arith.constant 0 : i32
    %dma_wait3A_88 = tpu.memref_slice %arg4[%select_n3A, %mul3A_32, %dma_wait3A_86, %dma_wait3A_87] : memref<4x8192x1x2048xf32, #tpu.memory_space<hbm>> -> memref<1x16x1x2048xf32, #tpu.memory_space<hbm>>
    %dma_wait3A_89 = tpu.memref_squeeze %dma_wait3A_88 : memref<1x16x1x2048xf32, #tpu.memory_space<hbm>> -> memref<16x1x2048xf32, #tpu.memory_space<hbm>>
    %dma_wait3A_90 = arith.constant 0 : i32
    %dma_wait3A_91 = arith.constant 0 : i32
    %dma_wait3A_92 = tpu.memref_slice %arg4[%select_n3A, %mul3A_32, %dma_wait3A_90, %dma_wait3A_91] : memref<4x8192x1x2048xf32, #tpu.memory_space<hbm>> -> memref<1x16x1x2048xf32, #tpu.memory_space<hbm>>
    %dma_wait3A_93 = tpu.memref_squeeze %dma_wait3A_92 : memref<1x16x1x2048xf32, #tpu.memory_space<hbm>> -> memref<16x1x2048xf32, #tpu.memory_space<hbm>>
    tpu.wait_dma2 semaphore(%arg12 : memref<!tpu.dma_semaphore, #tpu.memory_space<semaphore_mem>>) src(%arg6 : memref<16x1x2048xf32, #tpu.memory_space<vmem>>) dst(%dma_wait3A_93 : memref<16x1x2048xf32, #tpu.memory_space<hbm>>)
    return
  }
}

</mosaic_0001>

<sc_bundles>
// kernel: kernel.3.cloned.1.call-start
scs
__scs_entry_jumppad:
0x0: {  	(pc) =	sbr.rel $0x88, $3  }
0x1: {  	(tag) =	ssettag $0x0;
	lr =	simm.s32 $0x1  }
0x2: {  	[smem:$0x3F9F] =	sst lr;
	_ =	strace $0xD0000000  }
0x3: {  	_ = 	snop  }
0x4: {  	_ = 	snop  }
0x5: {  	_ = 	snop  }
0x6: {  	_ = 	snop  }
0x7: {  	_ = 	snop  }
__scs_overlays_trampoline_lowered:
0x8: {  	[smem:$0x3FAE] =	sst s0  }
0x9: {  	[smem:$0x3FAF] =	sst s1  }
0xa: {  	[smem:$0x3FB0] =	sst s2  }
0xb: {  	[smem:$0x3FB1] =	sst s3  }
0xc: {  	[smem:$0x3FB2] =	sst s4  }
0xd: {  	[smem:$0x3FB3] =	sst s5  }
0xe: {  	[smem:$0x3FB4] =	sst s6  }
0xf: {  	[smem:$0x3FB5] =	sst s7  }
0x10: {  	[smem:$0x3FB6] =	sst s8  }
0x11: {  	[smem:$0x3FB7] =	sst s9;
	s0 =	simm.s32 @!p0 $0x0  }
0x12: {  	s1 =	sld [smem:$0x3F9D];
	s0 =	simm.s32 @p0 $0x1  }
0x13: {  	[smem:$0x3FB8] =	sst s0;
	s0 =	simm.s32 @!p1 $0x0  }
0x14: {  	s2 =	sld [smem:$0x3F9C];
	s0 =	simm.s32 @p1 $0x1  }
0x15: {  	[smem:$0x3FB9] =	sst s0;
	s0 =	simm.s32 @!p2 $0x0  }
0x16: {  	s3 =	sld [smem:$0x3FDB];
	s0 =	simm.s32 @p2 $0x1  }
0x17: {  	s4 =	simm.s32 $0x1BF5;
	[smem:$0x3FBB] =	sst s0  }
0x18: {  	s0 =	sld [smem:$0x3F9E];
	_ =	swait.ge [sflag:s4], $0x0  }
0x19: {  	s7 =	sld [smem:$0x3F9F]  }
0x1a: {  	s8 =	sadd.s32 $0xFFFFE003, lr  }
0x1b: {  	s9 =	sadd.s32 $0xFFFFFEF7, lr;
	s5 =	simm.s32 $0xFFFFFFFF;
	p2 =	slt.u32 s8, $0xFFFFF086  }
0x1c: {  	p1 =	slt.u32 s9, $0xF7A;
	s5 =	simm.s32 @!p2 $0x0  }
0x1d: {  	s5 =	simm.s32 @p1 $0x1;
	p0 =	seq.s32 s7, s2  }
0x1e: {  	s7 =	smul.u32 @!p0 $0xF7A, s2;
	p2 =	seq.s32 @!p0 s5, $0x0  }
0x1f: {  	s9 =	smul.u32 $0xF7A, s1;
	s8 =	simm.s32 @!p0 $0x1BF5;
	p2 =	por !p2, p0  }
0x20: {  	[sflag:s8] =	ssyncset.s32 @!p0 $0xFFFFF086;
	s6 =	sadd.s32 @!p0 s3, s7;
	s7 =	simm.s32 @!p0 $0x108  }
0x21: {  	s3 =	sadd.s32 s3, s9;
	s6 =	sadd.s32 @!p0 $0x88, s6;
	s7 =	simm.s32 @p2 $0x1082  }
0x22: {  	[simem:s7], [sflag:s8] =	dma.local @!p0 [hbm:s6], $0xF7A  }
0x23: {  	s9 =	sor.u32 $0xD0000000, s2;
	s6 =	simm.s32 $0x108;
	_ =	swait.ge @!p0 [sflag:s8], $0x0  }
0x24: {  	s3 =	sadd.s32 $0x88, s3;
	s6 =	simm.s32 @!p1 $0x1082;
	[sflag:s4] =	ssyncset.s32 $0xFFFFF086  }
0x25: {  	[simem:s6], [sflag:s4] =	dma.local [hbm:s3], $0xF7A  }
0x26: {  	[smem:$0x3F9F] =	sst s1;
	(tag) =	ssettag s2;
	_ =	strace s9  }
0x27: {  	s1 =	sld [smem:$0x3FAF]  }
0x28: {  	s2 =	sld [smem:$0x3FB0]  }
0x29: {  	s4 =	sld [smem:$0x3FB2]  }
0x2a: {  	p0 =	seq.s32 s5, $0x0;
	s5 =	sld [smem:$0x3FB3]  }
0x2b: {  	s6 =	sld [smem:$0x3FB4]  }
0x2c: {  	s7 =	sld [smem:$0x3FB5]  }
0x2d: {  	s3 =	simm.s32 $0x108;
	s8 =	sld [smem:$0x3FB6]  }
0x2e: {  	s3 =	simm.s32 @!p0 $0x1082;
	s9 =	sld [smem:$0x3FB7]  }
0x2f: {  	lr =	sadd.s32 s0, s3;
	s0 =	sld [smem:$0x3FAE]  }
0x30: {  	s3 =	sld [smem:$0x3FB1]  }
0x31: {  	[smem:$0x3FBA] =	sst s10  }
0x32: {  	s10 =	sld [smem:$0x3FB8];
	_ =	sdelay $0x3  }
0x33: {  	p0 =	seq.s32 s10, $0x1;
	s10 =	sld [smem:$0x3FBA];
	_ =	sdelay $0x3  }
0x34: {  	[smem:$0x3FBA] =	sst s10  }
0x35: {  	s10 =	sld [smem:$0x3FB9];
	_ =	sdelay $0x3  }
0x36: {  	p1 =	seq.s32 s10, $0x1;
	s10 =	sld [smem:$0x3FBA];
	_ =	sdelay $0x3  }
0x37: {  	[smem:$0x3FBA] =	sst s10  }
0x38: {  	s10 =	sld [smem:$0x3FBB]  }
0x39: {  	_ = 	snop;
	(pc) =	sbr.ind lr, $3  }
0x3a: {  	_ = 	snop  }
0x3b: {  	_ = 	snop  }
0x3c: {  	p2 =	seq.s32 s10, $0x1;
	s10 =	sld [smem:$0x3FBA]  }
0x3d: {  	_ =	shalt  }
0x3e: {  	_ =	shalt  }
0x3f: {  	_ =	shalt  }
0x40: {  	_ =	shalt  }
0x41: {  	_ =	shalt  }
0x42: {  	_ =	shalt  }
0x43: {  	_ =	shalt  }
0x44: {  	_ =	shalt  }
0x45: {  	_ =	shalt  }
0x46: {  	_ =	shalt  }
0x47: {  	_ =	shalt  }
0x48: {  	_ =	shalt  }
0x49: {  	_ =	shalt  }
0x4a: {  	_ =	shalt  }
0x4b: {  	_ =	shalt  }
0x4c: {  	_ =	shalt  }
0x4d: {  	_ =	shalt  }
0x4e: {  	_ =	shalt  }
0x4f: {  	_ =	shalt  }
0x50: {  	_ =	shalt  }
0x51: {  	_ =	shalt  }
0x52: {  	_ =	shalt  }
0x53: {  	_ =	shalt  }
0x54: {  	_ =	shalt  }
0x55: {  	_ =	shalt  }
0x56: {  	_ =	shalt  }
0x57: {  	_ =	shalt  }
0x58: {  	_ =	shalt  }
0x59: {  	_ =	shalt  }
0x5a: {  	_ =	shalt  }
0x5b: {  	_ =	shalt  }
0x5c: {  	_ =	shalt  }
0x5d: {  	_ =	shalt  }
0x5e: {  	_ =	shalt  }
0x5f: {  	_ =	shalt  }
0x60: {  	_ =	shalt  }
0x61: {  	_ =	shalt  }
0x62: {  	_ =	shalt  }
0x63: {  	_ =	shalt  }
0x64: {  	_ =	shalt  }
0x65: {  	_ =	shalt  }
0x66: {  	_ =	shalt  }
0x67: {  	_ =	shalt  }
0x68: {  	_ =	shalt  }
0x69: {  	_ =	shalt  }
0x6a: {  	_ =	shalt  }
0x6b: {  	_ =	shalt  }
0x6c: {  	_ =	shalt  }
0x6d: {  	_ =	shalt  }
0x6e: {  	_ =	shalt  }
0x6f: {  	_ =	shalt  }
0x70: {  	_ =	shalt  }
0x71: {  	_ =	shalt  }
0x72: {  	_ =	shalt  }
0x73: {  	_ =	shalt  }
0x74: {  	_ =	shalt  }
0x75: {  	_ =	shalt  }
0x76: {  	_ =	shalt  }
0x77: {  	_ =	shalt  }
0x78: {  	_ =	shalt  }
0x79: {  	_ =	shalt  }
0x7a: {  	_ =	shalt  }
0x7b: {  	_ =	shalt  }
0x7c: {  	_ =	shalt  }
0x7d: {  	_ =	shalt  }
0x7e: {  	_ =	shalt  }
0x7f: {  	_ =	shalt  }
0x80: {  	_ =	shalt  }
0x81: {  	_ =	shalt  }
0x82: {  	_ =	shalt  }
0x83: {  	_ =	shalt  }
0x84: {  	_ =	shalt  }
0x85: {  	_ =	shalt  }
0x86: {  	_ =	shalt  }
0x87: {  	_ =	shalt  }
.Lfunc_end0:
.L_simem_size_0:
called_computation_lowered:
.L_overlay_start_0:
0x88: {  	s2 =	sld [smem:$0x3FD9]  }
0x89: {  	s3 =	sld [smem:$0x3FFE];
	_ =	sdelay $0x1  }
0x8a: {  	s1 =	srdreg.scid  }
0x8b: {  	s0 =	sand.u32 $0x1, s1  }
0x8c: {  	s18 =	sshll.u32 s0, $0xA;
	s2 =	sadd.s32 s3, s2  }
0x8d: {  	s2 =	sadd.s32 s2, s18  }
0x8e: {  	[smem:$0x3FC6] =	sst s2  }
0x8f: {  	_ = 	snop  }
0x90: {  	s2 =	sld [smem:$0x3FC9]  }
0x91: {  	s19 =	sld [smem:$0x3FC8]  }
0x92: {  	s4 =	sld [smem:$0x3FD0];
	(tm) =	ssettm $0x1  }
0x93: {  	s5 =	sld [smem:$0x3FFB];
	_ =	sdelay $0x3  }
0x94: {  	_ =	strace s5  }
0x95: {  	s5 =	sld [smem:$0x3FFC];
	_ =	sdelay $0x3  }
0x96: {  	_ =	strace s5  }
0x97: {  	s5 =	sld [smem:$0x3FFD];
	_ =	sdelay $0x3  }
0x98: {  	_ =	strace s5  }
0x99: {  	_ =	strace $0x8FFFFFFF  }
0x9a: {  	s20 =	sld [smem:$0x3FDB];
	_ =	sdelay $0x1  }
0x9b: {  	s6 =	simm.s32 $_scs_section_size  }
0x9c: {  	s7 =	simm.s32 $_size__tile_overlayer_lowered;
	s8 =	simm.s32 $_tile_overlayer_lowered  }
0x9d: {  	s23 =	simm.s32 $0x1BFF;
	s22 =	sshll.u32 s8, $0x1;
	s5 =	sadd.s32 s6, s20  }
0x9e: {  	s9 =	simm.s32 $0x0;
	s21 =	sshll.u32 s7, $0x1;
	s7 =	sadd.s32 s22, s5  }
0x9f: {  	[timem:s9], [sflag:s23] =	dma.local [hbm:s7], s21  }
0xa0: {  	_ =	swait.ge [sflag:s23], s21  }
0xa1: {  	s6 =	ssub.s32 $0x0, s21;
	[sflag:s23] =	ssyncset.done $0x0  }
0xa2: {  	[sflag:s23] =	ssyncadd.s32 s6;
	_ =	sdelay $0x1  }
0xa3: {  	s24 =	simm.s32 $0x1B8B  }
0xa4: {  	_ =	swait.ge [sflag:s24], $0x1  }
0xa5: {  	[sflag:s24] =	ssyncset.done $0x0  }
0xa6: {  	s25 =	simm.s32 $0x1B8E;
	[sflag:s24] =	ssyncadd.s32 $0xFFFFFFFF  }
0xa7: {  	s26 =	simm.s32 $execute0_lowered;
	[smem:$0x3FD2] =	sst s25  }
0xa8: {  	s6 =	sshll.u32 s26, $0x1;
	_ =	strace $0x80000046;
	[dreg:$0x1] =	wrdreg $0xFFFFFFFF  }
0xa9: {  	s28 =	simm.s32 $_size_execute0_lowered;
	s5 =	sadd.s32 s5, s6;
	[dreg:$0x0] =	wrdreg $0x0  }
0xaa: {  	s6 =	sshll.u32 s28, $0x1;
	[dreg:$0x2] =	wrdreg s5  }
0xab: {  	[dreg:$0x3] =	wrdreg s6  }
0xac: {  	[dreg:$0x4] =	wrdreg $0xC0  }
0xad: {  	_ =	task [dreg:s9], $0x5FFFF  }
0xae: {  	[dreg:$0x1] =	wrdreg $0xFFFFFFFF  }
0xaf: {  	[dreg:$0x0] =	wrdreg $0x60  }
0xb0: {  	[dreg:$0x2] =	wrdreg s2  }
0xb1: {  	[dreg:$0x3] =	wrdreg s19  }
0xb2: {  	[dreg:$0x4] =	wrdreg s4  }
0xb3: {  	[dreg:$0x5] =	wrdreg $0x9  }
0xb4: {  	_ =	task.clear_ibuf [dreg:s9], $0x6FFFF;
	_ =	strace $0x90000046  }
0xb5: {  	s29 =	simm.s32 $0x9;
	_ =	strace $0x80000048  }
0xb6: {  	_ =	swait.ge [sflag:s29], $0x1  }
0xb7: {  	[sflag:s29] =	ssyncadd.s32 $0xFFFFFFFF  }
0xb8: {  	_ =	strace $0x90000048  }
0xb9: {  	_ =	sfence  }
0xba: {  	s30 =	sld [smem:$0x0];
	_ =	sdelay $0x2  }
0xbb: {  	s31 =	sshll.u32 s1, $0xD;
	s1 =	sshrl.u32 s1, $0x2  }
0xbc: {  	s3 =	sand.u32 $0x4000, s31;
	s1 =	sadd.s32 s1, s30  }
0xbd: {  	s0 =	sor.u32 s3, s0;
	s1 =	sshll.u32 s1, $0x11  }
0xbe: {  	s0 =	sor.u32 s1, s0  }
0xbf: {  	s0 =	sadd.s32 $0x8F2B, s0  }
0xc0: {  	[sflag:s0] =	ssyncadd.remote.s32 $0x1  }
0xc1: {  	_ =	sfence.sel $0xFFFF  }
0xc2: {  	[dreg:$0x0] =	wrdreg $0xFFFFFFFF;
	(pc) =	sbr.abs _section_cstart, $3  }
0xc3: {  	[dreg:$0x1] =	wrdreg $0xFFFFFFFF  }
0xc4: {  	_ =	task.clear_ibuf [dreg:s9], $0x2FFFF;
	_ =	strace $0x9FFFFFFF  }
0xc5: {  	(tm) =	ssettm $0x7FFFFFFF  }
tec
execute0_lowered:
.L_overlay_start_1:
0x0: {  	(tag) =	ssettag $0x1  }
0x1: {  	s0 =	rddreg [dreg:$0x0]  }
0x2: {  	s1 =	rddreg [dreg:$0x1]  }
0x3: {  	s2 =	rddreg [dreg:$0x2]  }
0x4: {  	s4 =	srdreg.scid;
	s3 =	simm.s32 $0x0;
	s8 =	stileid.u32  }
0x5: {  	s11 =	simm.s32 $0x400;
	s28 =	simm.s32 $0x8400;
	s30 =	simm.s32 $0x1  }
0x6: {  	s17 =	simm.s32 $0x10400;
	s31 =	simm.s32 $0x10C00;
	s18 =	simm.s32 $0x11400  }
0x7: {  	s19 =	simm.s32 $0x12400;
	s10 =	simm.s32 $0x16C00;
	s12 =	simm.s32 $0x17C00  }
0x8: {  	s13 =	simm.s32 $0x4;
	s14 =	simm.s32 $0x5;
	s16 =	simm.s32 $0x0  }
0x9: {  	s4 =	sand.u32 $0x1, s4;
	[smem:$0x7FF] =	sst s3;
	s6 =	sshll.u32 s8, $0x1  }
0xa: {  	s20 =	sshrl.u32 s8, $0x2;
	s5 =	ssub.s32 $0x2, s4;
	_ =	strace $0x80000047  }
0xb: {  	s4 =	sor.u32 s4, s6;
	s8 =	sshll.u32 s20, $0x18;
	s6 =	sshll.u32 s20, $0x15  }
0xc: {  	s20 =	simm.s32 $0x13400;
	s7 =	sshrl.u32 s5, $0x1;
	s21 =	sand.u32 $0x7, s4  }
0xd: {  	s4 =	sshll.u32 s4, $0x7;
	s6 =	sadd.s32 s6, s2;
	s5 =	ssub.s32 s5, s7  }
0xe: {  	s9 =	sshll.u32 s21, $0x12;
	s7 =	sshll.u32 s21, $0x15;
	s0 =	sadd.s32 s0, s4  }
0xf: {  	s21 =	simm.s32 $0x14400;
	[dreg:$0x4] =	wrdreg s0;
	s22 =	sadd.s32 s9, s6  }
0x10: {  	s23 =	sor.u32 s7, s8;
	s24 =	smax.u32 s5, $0x1;
	s5 =	simm.s32 $0x14C00  }
0x11: {  	v0 =	vimm.s32 $0x7;
	s6 =	simm.s32 $0x15C00;
	s0 =	sadd.s32 $0x3F000, s22;
	[dreg:$0x6] =	wrdreg s24  }
0x12: {  	v1 =	vimm.s32 $0x4;
	v2 =	vimm.s32 $0x0;
	v3 =	vlaneseq.u32;
	s25 =	sor.u32 $0x8000, s23;
	s26 =	sshrl.u32 s23, $0x3;
	s4 =	sor.u32 $0x10000, s23  }
.Ltmp0:
0x13: {  	vm0 =	vmmov $0xffff;
	v4 =	vimm.s32 $0x1;
	v5 =	vimm.s32 $0x2;
	s22 =	simm.s32 $0x15400;
	s23 =	simm.s32 $0x16400;
	(pc) =	sbr.rel .LBB2_1-.Ltmp0, $4  }
0x14: {  	v6 =	vimm.s32 $0x3;
	v7 =	vimm.s32 $0x5;
	v8 =	vimm.s32 $0x6;
	s24 =	simm.s32 $0x17400;
	[dreg:$0x5] =	wrdreg s0;
	s0 =	sshrl.u32 s25, $0x3  }
0x15: {  	v9 =	vimm.s32 $0x8;
	v10 =	vimm.s32 $0x9;
	v11 =	vimm.s32 $0xA;
	s8 =	sadd.s32 s26, s2;
	s29 =	sshrl.u32 s4, $0x3;
	s4 =	simm.s32 $0x13C00  }
0x16: {  	v12 =	vimm.s32 $0xB;
	v13 =	vimm.s32 $0xC;
	v14 =	vimm.s32 $0xD;
	s25 =	simm.s32 $0x2;
	s26 =	simm.s32 $0x3;
	s7 =	sadd.s32 s0, s2  }
0x17: {  	v15 =	vimm.s32 $0xE;
	v16 =	vimm.s32 $0xF;
	v3 =	vmul.u32 $0x8, v3;
	s9 =	sadd.s32 s29, s2;
	s0 =	simm.s32 $0x11C00;
	s2 =	simm.s32 $0x12C00  }
.LBB2_4:
0x18: {  	_ =	swait.ge [sflag:s30], $0x8000  }
0x19: {  	[sflag:s30] =	ssyncset.done $0x0  }
0x1a: {  	s16 =	simm.s32 $0x6;
	s15 =	rddreg [dreg:$0x5];
	[sflag:s30] =	ssyncadd.s32 $0xFFFF8000  }
0x1b: {  	[hbm4b:s15+s3] =	stream.linear.scatter [tilespmem:s11], [sflag:$0x4], $0x8000, $0x38;
	[tilespmem:$0x18400] =	vst v63  }
0x1c: {  	_ =	swait.ge [sflag:s16], $0x8000  }
0x1d: {  	[sflag:s16] =	ssyncset.done $0x0  }
0x1e: {  	[sflag:s16] =	ssyncadd.s32 $0xFFFF8000  }
0x1f: {  	_ =	swait.ge [sflag:s13], $0x8000  }
0x20: {  	s16 =	rddreg [dreg:$0x7]  }
0x21: {  	s29 =	rddreg [dreg:$0x6];
	s16 =	sadd.s32 $0x1, s16  }
0x22: {  	p0 =	sne.s32 s16, s29  }
.Ltmp1:
0x23: {  	_ = 	snop;
	(pc) =	sbr.rel @!p0 .LBB2_5-.Ltmp1, $3  }
0x24: {  	_ =	sdelay $0x1  }
0x25: {  	[sflag:s13] =	ssyncset.done $0x0  }
0x26: {  	[sflag:s13] =	ssyncadd.s32 $0xFFFF8000  }
.LBB2_1:
0x27: {  	[dreg:$0x7] =	wrdreg s16  }
0x28: {  	s15 =	rddreg [dreg:$0x4];
	s16 =	simm.s32 $0x7  }
0x29: {  	[tilespmem:s3], [sflag:$0x7] =	stream.linear.gather [hbm4b:s15+s3], $0x400, $0x38;
	[tilespmem:$0x18400] =	vst v63  }
0x2a: {  	_ =	swait.ge [sflag:s16], $0x400  }
0x2b: {  	[sflag:s16] =	ssyncset.done $0x0  }
0x2c: {  	[sflag:s16] =	ssyncadd.s32 $0xFFFFFC00  }
0x2d: {  	v17 =	vld [tilespmem:$0x0];
	_ =	sdelay $0x4  }
0x2e: {  	v18 =	vshll.u32 v17, $0x4  }
0x2f: {  	v17 =	vand.u32 $0x7, v17;
	v18 =	vand.u32 $0xFFFFFF80, v18  }
0x30: {  	v17 =	vor.u32 v17, v18  }
0x31: {  	v18 =	vperm.xlane v17, v2;
	_ =	sdelay $0x1  }
0x32: {  	v19 =	vperm.xlane v17, v4;
	v18 =	vadd.s32 v3, v18;
	_ =	sdelay $0x1  }
0x33: {  	v20 =	vperm.xlane v17, v5;
	v19 =	vadd.s32 v3, v19;
	_ =	sdelay $0x1  }
0x34: {  	v21 =	vperm.xlane v17, v6;
	v20 =	vadd.s32 v3, v20  }
0x35: {  	[tilespmem:s11], [sflag:$0x1] =	stream.indirect_vreg.gather [hbm4b:s1+s3], $0x80, v18, vm0, $0xb8;
	[tilespmem:$0x18400] =	vst v63  }
0x36: {  	s16 =	simm.s32 $0xC00;
	v32 =	vperm.xlane v17, v1;
	v18 =	vadd.s32 v3, v21  }
0x37: {  	[tilespmem:s16], [sflag:$0x1] =	stream.indirect_vreg.gather [hbm4b:s1+s3], $0x80, v19, vm0, $0xb8;
	[tilespmem:$0x18400] =	vst v63  }
0x38: {  	v33 =	vperm.xlane v17, v7;
	v19 =	vadd.s32 v3, v32;
	s16 =	simm.s32 $0x1400  }
0x39: {  	[tilespmem:s16], [sflag:$0x1] =	stream.indirect_vreg.gather [hbm4b:s1+s3], $0x80, v20, vm0, $0xb8;
	[tilespmem:$0x18400] =	vst v63  }
0x3a: {  	v35 =	vperm.xlane v17, v8;
	v34 =	vadd.s32 v3, v33;
	s16 =	simm.s32 $0x1C00  }
0x3b: {  	[tilespmem:s16], [sflag:$0x1] =	stream.indirect_vreg.gather [hbm4b:s1+s3], $0x80, v18, vm0, $0xb8;
	[tilespmem:$0x18400] =	vst v63  }
0x3c: {  	v36 =	vperm.xlane v17, v0;
	v18 =	vadd.s32 v3, v35;
	s16 =	simm.s32 $0x2400  }
0x3d: {  	[tilespmem:s16], [sflag:$0x1] =	stream.indirect_vreg.gather [hbm4b:s1+s3], $0x80, v19, vm0, $0xb8;
	[tilespmem:$0x18400] =	vst v63  }
0x3e: {  	v37 =	vperm.xlane v17, v9;
	v19 =	vadd.s32 v3, v36;
	s16 =	simm.s32 $0x2C00  }
0x3f: {  	[tilespmem:s16], [sflag:$0x1] =	stream.indirect_vreg.gather [hbm4b:s1+s3], $0x80, v34, vm0, $0xb8;
	[tilespmem:$0x18400] =	vst v63  }
0x40: {  	v39 =	vperm.xlane v17, v10;
	v38 =	vadd.s32 v3, v37;
	s16 =	simm.s32 $0x3400  }
0x41: {  	[tilespmem:s16], [sflag:$0x1] =	stream.indirect_vreg.gather [hbm4b:s1+s3], $0x80, v18, vm0, $0xb8;
	[tilespmem:$0x18400] =	vst v63  }
0x42: {  	v40 =	vperm.xlane v17, v11;
	v18 =	vadd.s32 v3, v39;
	s16 =	simm.s32 $0x3C00  }
0x43: {  	[tilespmem:s16], [sflag:$0x1] =	stream.indirect_vreg.gather [hbm4b:s1+s3], $0x80, v19, vm0, $0xb8;
	[tilespmem:$0x18400] =	vst v63  }
0x44: {  	v41 =	vperm.xlane v17, v12;
	v19 =	vadd.s32 v3, v40;
	s16 =	simm.s32 $0x4400  }
0x45: {  	[tilespmem:s16], [sflag:$0x1] =	stream.indirect_vreg.gather [hbm4b:s1+s3], $0x80, v38, vm0, $0xb8;
	[tilespmem:$0x18400] =	vst v63  }
0x46: {  	v43 =	vperm.xlane v17, v13;
	v42 =	vadd.s32 v3, v41;
	s16 =	simm.s32 $0x4C00  }
0x47: {  	[tilespmem:s16], [sflag:$0x1] =	stream.indirect_vreg.gather [hbm4b:s1+s3], $0x80, v18, vm0, $0xb8;
	[tilespmem:$0x18400] =	vst v63  }
0x48: {  	v44 =	vperm.xlane v17, v14;
	v18 =	vadd.s32 v3, v43;
	s16 =	simm.s32 $0x5400  }
0x49: {  	[tilespmem:s16], [sflag:$0x1] =	stream.indirect_vreg.gather [hbm4b:s1+s3], $0x80, v19, vm0, $0xb8;
	[tilespmem:$0x18400] =	vst v63  }
0x4a: {  	v45 =	vperm.xlane v17, v15;
	v19 =	vadd.s32 v3, v44;
	s16 =	simm.s32 $0x5C00  }
0x4b: {  	[tilespmem:s16], [sflag:$0x1] =	stream.indirect_vreg.gather [hbm4b:s1+s3], $0x80, v42, vm0, $0xb8;
	[tilespmem:$0x18400] =	vst v63  }
0x4c: {  	v17 =	vperm.xlane v17, v16;
	v46 =	vadd.s32 v3, v45;
	s16 =	simm.s32 $0x6400  }
0x4d: {  	[tilespmem:s16], [sflag:$0x1] =	stream.indirect_vreg.gather [hbm4b:s1+s3], $0x80, v18, vm0, $0xb8;
	[tilespmem:$0x18400] =	vst v63  }
0x4e: {  	v17 =	vadd.s32 v3, v17;
	s16 =	simm.s32 $0x6C00  }
0x4f: {  	[tilespmem:s16], [sflag:$0x1] =	stream.indirect_vreg.gather [hbm4b:s1+s3], $0x80, v19, vm0, $0xb8;
	[tilespmem:$0x18400] =	vst v63  }
0x50: {  	s16 =	simm.s32 $0x7400  }
0x51: {  	[tilespmem:s16], [sflag:$0x1] =	stream.indirect_vreg.gather [hbm4b:s1+s3], $0x80, v46, vm0, $0xb8;
	[tilespmem:$0x18400] =	vst v63  }
0x52: {  	s16 =	simm.s32 $0x7C00  }
0x53: {  	[tilespmem:s16], [sflag:$0x1] =	stream.indirect_vreg.gather [hbm4b:s1+s3], $0x80, v17, vm0, $0xb8;
	[tilespmem:$0x18400] =	vst v63  }
0x54: {  	v17 =	vld [tilespmem:$0x10];
	_ =	sdelay $0x4  }
0x55: {  	v18 =	vshll.u32 v17, $0x4  }
0x56: {  	v17 =	vand.u32 $0x7, v17;
	v18 =	vand.u32 $0xFFFFFF80, v18  }
0x57: {  	v17 =	vor.u32 v17, v18  }
0x58: {  	v18 =	vperm.xlane v17, v2;
	_ =	sdelay $0x1  }
0x59: {  	v19 =	vperm.xlane v17, v4;
	v18 =	vadd.s32 v3, v18;
	_ =	sdelay $0x1  }
0x5a: {  	v47 =	vperm.xlane v17, v5;
	v19 =	vadd.s32 v3, v19;
	_ =	sdelay $0x1  }
0x5b: {  	v48 =	vperm.xlane v17, v6;
	v20 =	vadd.s32 v3, v47  }
0x5c: {  	[tilespmem:s28], [sflag:$0x2] =	stream.indirect_vreg.gather [hbm4b:s1+s3], $0x80, v18, vm0, $0xb8;
	[tilespmem:$0x18400] =	vst v63  }
0x5d: {  	s16 =	simm.s32 $0x8C00;
	v49 =	vperm.xlane v17, v1;
	v18 =	vadd.s32 v3, v48  }
0x5e: {  	[tilespmem:s16], [sflag:$0x2] =	stream.indirect_vreg.gather [hbm4b:s1+s3], $0x80, v19, vm0, $0xb8;
	[tilespmem:$0x18400] =	vst v63  }
0x5f: {  	v50 =	vperm.xlane v17, v7;
	v19 =	vadd.s32 v3, v49;
	s16 =	simm.s32 $0x9400  }
0x60: {  	[tilespmem:s16], [sflag:$0x2] =	stream.indirect_vreg.gather [hbm4b:s1+s3], $0x80, v20, vm0, $0xb8;
	[tilespmem:$0x18400] =	vst v63  }
0x61: {  	v52 =	vperm.xlane v17, v8;
	v51 =	vadd.s32 v3, v50;
	s16 =	simm.s32 $0x9C00  }
0x62: {  	[tilespmem:s16], [sflag:$0x2] =	stream.indirect_vreg.gather [hbm4b:s1+s3], $0x80, v18, vm0, $0xb8;
	[tilespmem:$0x18400] =	vst v63  }
0x63: {  	v53 =	vperm.xlane v17, v0;
	v18 =	vadd.s32 v3, v52;
	s16 =	simm.s32 $0xA400  }
0x64: {  	[tilespmem:s16], [sflag:$0x2] =	stream.indirect_vreg.gather [hbm4b:s1+s3], $0x80, v19, vm0, $0xb8;
	[tilespmem:$0x18400] =	vst v63  }
0x65: {  	v54 =	vperm.xlane v17, v9;
	v19 =	vadd.s32 v3, v53;
	s16 =	simm.s32 $0xAC00  }
0x66: {  	[tilespmem:s16], [sflag:$0x2] =	stream.indirect_vreg.gather [hbm4b:s1+s3], $0x80, v51, vm0, $0xb8;
	[tilespmem:$0x18400] =	vst v63  }
0x67: {  	v56 =	vperm.xlane v17, v10;
	v55 =	vadd.s32 v3, v54;
	s16 =	simm.s32 $0xB400  }
0x68: {  	[tilespmem:s16], [sflag:$0x2] =	stream.indirect_vreg.gather [hbm4b:s1+s3], $0x80, v18, vm0, $0xb8;
	[tilespmem:$0x18400] =	vst v63  }
0x69: {  	v57 =	vperm.xlane v17, v11;
	v18 =	vadd.s32 v3, v56;
	s16 =	simm.s32 $0xBC00  }
0x6a: {  	[tilespmem:s16], [sflag:$0x2] =	stream.indirect_vreg.gather [hbm4b:s1+s3], $0x80, v19, vm0, $0xb8;
	[tilespmem:$0x18400] =	vst v63  }
0x6b: {  	v58 =	vperm.xlane v17, v12;
	v19 =	vadd.s32 v3, v57;
	s16 =	simm.s32 $0xC400  }
0x6c: {  	[tilespmem:s16], [sflag:$0x2] =	stream.indirect_vreg.gather [hbm4b:s1+s3], $0x80, v55, vm0, $0xb8;
	[tilespmem:$0x18400] =	vst v63  }
0x6d: {  	v60 =	vperm.xlane v17, v13;
	v59 =	vadd.s32 v3, v58;
	s16 =	simm.s32 $0xCC00  }
0x6e: {  	[tilespmem:s16], [sflag:$0x2] =	stream.indirect_vreg.gather [hbm4b:s1+s3], $0x80, v18, vm0, $0xb8;
	[tilespmem:$0x18400] =	vst v63  }
0x6f: {  	v61 =	vperm.xlane v17, v14;
	v18 =	vadd.s32 v3, v60;
	s16 =	simm.s32 $0xD400  }
0x70: {  	[tilespmem:s16], [sflag:$0x2] =	stream.indirect_vreg.gather [hbm4b:s1+s3], $0x80, v19, vm0, $0xb8;
	[tilespmem:$0x18400] =	vst v63  }
0x71: {  	v62 =	vperm.xlane v17, v15;
	v19 =	vadd.s32 v3, v61;
	s16 =	simm.s32 $0xDC00  }
0x72: {  	[tilespmem:s16], [sflag:$0x2] =	stream.indirect_vreg.gather [hbm4b:s1+s3], $0x80, v59, vm0, $0xb8;
	[tilespmem:$0x18400] =	vst v63  }
0x73: {  	v17 =	vperm.xlane v17, v16;
	v63 =	vadd.s32 v3, v62;
	s16 =	simm.s32 $0xE400  }
0x74: {  	[tilespmem:s16], [sflag:$0x2] =	stream.indirect_vreg.gather [hbm4b:s1+s3], $0x80, v18, vm0, $0xb8;
	[tilespmem:$0x18400] =	vst v63  }
0x75: {  	v17 =	vadd.s32 v3, v17;
	s16 =	simm.s32 $0xEC00  }
0x76: {  	[tilespmem:s16], [sflag:$0x2] =	stream.indirect_vreg.gather [hbm4b:s1+s3], $0x80, v19, vm0, $0xb8;
	[tilespmem:$0x18400] =	vst v63  }
0x77: {  	s16 =	simm.s32 $0xF400  }
0x78: {  	[tilespmem:s16], [sflag:$0x2] =	stream.indirect_vreg.gather [hbm4b:s1+s3], $0x80, v63, vm0, $0xb8;
	[tilespmem:$0x18400] =	vst v63  }
0x79: {  	s29 =	simm.s32 $0x0;
	s15 =	simm.s32 $0x40;
	s16 =	simm.s32 $0xFC00  }
0x7a: {  	[tilespmem:s16], [sflag:$0x2] =	stream.indirect_vreg.gather [hbm4b:s1+s3], $0x80, v17, vm0, $0xb8;
	[tilespmem:$0x18400] =	vst v63  }
.LBB2_2:
0x7b: {  	_ =	swait.ge [sflag:s30], $0x8000  }
0x7c: {  	p0 =	seq.s32 s29, $0x0;
	[sflag:s30] =	ssyncset.done $0x0  }
0x7d: {  	s16 =	simm.s32 @!p0 $0x6;
	[sflag:s30] =	ssyncadd.s32 $0xFFFF8000  }
0x7e: {  	_ =	swait.ge @!p0 [sflag:s16], $0x8000  }
0x7f: {  	[sflag:s16] =	ssyncset.done @!p0 $0x0  }
0x80: {  	[sflag:s16] =	ssyncadd.s32 @!p0 $0xFFFF8000;
	s16 =	sadd.s32 s29, s8  }
0x81: {  	[hbm4b:s16+s3] =	stream.linear.scatter [tilespmem:s11], [sflag:$0x4], $0x8000, $0x38;
	[tilespmem:$0x18400] =	vst v63  }
0x82: {  	v17 =	vld [tilespmem:s15+$0xFFFFFFE0];
	_ =	sdelay $0x4  }
0x83: {  	v18 =	vshll.u32 v17, $0x4  }
0x84: {  	v17 =	vand.u32 $0x7, v17;
	v18 =	vand.u32 $0xFFFFFF80, v18  }
0x85: {  	v17 =	vor.u32 v17, v18  }
0x86: {  	v18 =	vperm.xlane v17, v2;
	_ =	sdelay $0x1  }
0x87: {  	v19 =	vperm.xlane v17, v4;
	v18 =	vadd.s32 v3, v18;
	_ =	sdelay $0x1  }
0x88: {  	v20 =	vperm.xlane v17, v5;
	v19 =	vadd.s32 v3, v19;
	_ =	sdelay $0x1  }
0x89: {  	v21 =	vperm.xlane v17, v6;
	v20 =	vadd.s32 v3, v20  }
0x8a: {  	[tilespmem:s17], [sflag:$0x3] =	stream.indirect_vreg.gather [hbm4b:s1+s3], $0x80, v18, vm0, $0xb8;
	[tilespmem:$0x18400] =	vst v63  }
0x8b: {  	v32 =	vperm.xlane v17, v1;
	v18 =	vadd.s32 v3, v21  }
0x8c: {  	[tilespmem:s31], [sflag:$0x3] =	stream.indirect_vreg.gather [hbm4b:s1+s3], $0x80, v19, vm0, $0xb8;
	[tilespmem:$0x18400] =	vst v63  }
0x8d: {  	v33 =	vperm.xlane v17, v7;
	v19 =	vadd.s32 v3, v32  }
0x8e: {  	[tilespmem:s18], [sflag:$0x3] =	stream.indirect_vreg.gather [hbm4b:s1+s3], $0x80, v20, vm0, $0xb8;
	[tilespmem:$0x18400] =	vst v63  }
0x8f: {  	v35 =	vperm.xlane v17, v8;
	v34 =	vadd.s32 v3, v33  }
0x90: {  	[tilespmem:s0], [sflag:$0x3] =	stream.indirect_vreg.gather [hbm4b:s1+s3], $0x80, v18, vm0, $0xb8;
	[tilespmem:$0x18400] =	vst v63  }
0x91: {  	v36 =	vperm.xlane v17, v0;
	v18 =	vadd.s32 v3, v35  }
0x92: {  	[tilespmem:s19], [sflag:$0x3] =	stream.indirect_vreg.gather [hbm4b:s1+s3], $0x80, v19, vm0, $0xb8;
	[tilespmem:$0x18400] =	vst v63  }
0x93: {  	v37 =	vperm.xlane v17, v9;
	v19 =	vadd.s32 v3, v36  }
0x94: {  	[tilespmem:s2], [sflag:$0x3] =	stream.indirect_vreg.gather [hbm4b:s1+s3], $0x80, v34, vm0, $0xb8;
	[tilespmem:$0x18400] =	vst v63  }
0x95: {  	v39 =	vperm.xlane v17, v10;
	v38 =	vadd.s32 v3, v37  }
0x96: {  	[tilespmem:s20], [sflag:$0x3] =	stream.indirect_vreg.gather [hbm4b:s1+s3], $0x80, v18, vm0, $0xb8;
	[tilespmem:$0x18400] =	vst v63  }
0x97: {  	v40 =	vperm.xlane v17, v11;
	v18 =	vadd.s32 v3, v39  }
0x98: {  	[tilespmem:s4], [sflag:$0x3] =	stream.indirect_vreg.gather [hbm4b:s1+s3], $0x80, v19, vm0, $0xb8;
	[tilespmem:$0x18400] =	vst v63  }
0x99: {  	v41 =	vperm.xlane v17, v12;
	v19 =	vadd.s32 v3, v40  }
0x9a: {  	[tilespmem:s21], [sflag:$0x3] =	stream.indirect_vreg.gather [hbm4b:s1+s3], $0x80, v38, vm0, $0xb8;
	[tilespmem:$0x18400] =	vst v63  }
0x9b: {  	v43 =	vperm.xlane v17, v13;
	v42 =	vadd.s32 v3, v41  }
0x9c: {  	[tilespmem:s5], [sflag:$0x3] =	stream.indirect_vreg.gather [hbm4b:s1+s3], $0x80, v18, vm0, $0xb8;
	[tilespmem:$0x18400] =	vst v63  }
0x9d: {  	v44 =	vperm.xlane v17, v14;
	v18 =	vadd.s32 v3, v43  }
0x9e: {  	[tilespmem:s22], [sflag:$0x3] =	stream.indirect_vreg.gather [hbm4b:s1+s3], $0x80, v19, vm0, $0xb8;
	[tilespmem:$0x18400] =	vst v63  }
0x9f: {  	v45 =	vperm.xlane v17, v15;
	v19 =	vadd.s32 v3, v44  }
0xa0: {  	[tilespmem:s6], [sflag:$0x3] =	stream.indirect_vreg.gather [hbm4b:s1+s3], $0x80, v42, vm0, $0xb8;
	[tilespmem:$0x18400] =	vst v63  }
0xa1: {  	v17 =	vperm.xlane v17, v16;
	v46 =	vadd.s32 v3, v45  }
0xa2: {  	[tilespmem:s23], [sflag:$0x3] =	stream.indirect_vreg.gather [hbm4b:s1+s3], $0x80, v18, vm0, $0xb8;
	[tilespmem:$0x18400] =	vst v63  }
0xa3: {  	v17 =	vadd.s32 v3, v17  }
0xa4: {  	[tilespmem:s10], [sflag:$0x3] =	stream.indirect_vreg.gather [hbm4b:s1+s3], $0x80, v19, vm0, $0xb8;
	[tilespmem:$0x18400] =	vst v63  }
0xa5: {  	_ = 	snop  }
0xa6: {  	[tilespmem:s24], [sflag:$0x3] =	stream.indirect_vreg.gather [hbm4b:s1+s3], $0x80, v46, vm0, $0xb8;
	[tilespmem:$0x18400] =	vst v63  }
0xa7: {  	_ = 	snop  }
0xa8: {  	[tilespmem:s12], [sflag:$0x3] =	stream.indirect_vreg.gather [hbm4b:s1+s3], $0x80, v17, vm0, $0xb8;
	[tilespmem:$0x18400] =	vst v63  }
0xa9: {  	_ =	swait.ge [sflag:s25], $0x8000  }
0xaa: {  	[sflag:s25] =	ssyncset.done $0x0  }
0xab: {  	[sflag:s25] =	ssyncadd.s32 $0xFFFF8000  }
0xac: {  	_ =	swait.ge [sflag:s13], $0x8000  }
0xad: {  	[sflag:s13] =	ssyncset.done $0x0  }
0xae: {  	s16 =	sadd.s32 s29, s7;
	[sflag:s13] =	ssyncadd.s32 $0xFFFF8000  }
0xaf: {  	[hbm4b:s16+s3] =	stream.linear.scatter [tilespmem:s28], [sflag:$0x5], $0x8000, $0x38;
	[tilespmem:$0x18400] =	vst v63  }
0xb0: {  	v17 =	vld [tilespmem:s15+$0xFFFFFFF0];
	_ =	sdelay $0x4  }
0xb1: {  	v18 =	vshll.u32 v17, $0x4  }
0xb2: {  	v17 =	vand.u32 $0x7, v17;
	v18 =	vand.u32 $0xFFFFFF80, v18  }
0xb3: {  	v17 =	vor.u32 v17, v18  }
0xb4: {  	v18 =	vperm.xlane v17, v2;
	_ =	sdelay $0x1  }
0xb5: {  	v19 =	vperm.xlane v17, v4;
	v18 =	vadd.s32 v3, v18;
	_ =	sdelay $0x1  }
0xb6: {  	v47 =	vperm.xlane v17, v5;
	v19 =	vadd.s32 v3, v19;
	_ =	sdelay $0x1  }
0xb7: {  	v48 =	vperm.xlane v17, v6;
	v20 =	vadd.s32 v3, v47  }
0xb8: {  	[tilespmem:s11], [sflag:$0x1] =	stream.indirect_vreg.gather [hbm4b:s1+s3], $0x80, v18, vm0, $0xb8;
	[tilespmem:$0x18400] =	vst v63  }
0xb9: {  	s16 =	simm.s32 $0xC00;
	v49 =	vperm.xlane v17, v1;
	v18 =	vadd.s32 v3, v48  }
0xba: {  	[tilespmem:s16], [sflag:$0x1] =	stream.indirect_vreg.gather [hbm4b:s1+s3], $0x80, v19, vm0, $0xb8;
	[tilespmem:$0x18400] =	vst v63  }
0xbb: {  	v50 =	vperm.xlane v17, v7;
	v19 =	vadd.s32 v3, v49;
	s16 =	simm.s32 $0x1400  }
0xbc: {  	[tilespmem:s16], [sflag:$0x1] =	stream.indirect_vreg.gather [hbm4b:s1+s3], $0x80, v20, vm0, $0xb8;
	[tilespmem:$0x18400] =	vst v63  }
0xbd: {  	v52 =	vperm.xlane v17, v8;
	v51 =	vadd.s32 v3, v50;
	s16 =	simm.s32 $0x1C00  }
0xbe: {  	[tilespmem:s16], [sflag:$0x1] =	stream.indirect_vreg.gather [hbm4b:s1+s3], $0x80, v18, vm0, $0xb8;
	[tilespmem:$0x18400] =	vst v63  }
0xbf: {  	v53 =	vperm.xlane v17, v0;
	v18 =	vadd.s32 v3, v52;
	s16 =	simm.s32 $0x2400  }
0xc0: {  	[tilespmem:s16], [sflag:$0x1] =	stream.indirect_vreg.gather [hbm4b:s1+s3], $0x80, v19, vm0, $0xb8;
	[tilespmem:$0x18400] =	vst v63  }
0xc1: {  	v54 =	vperm.xlane v17, v9;
	v19 =	vadd.s32 v3, v53;
	s16 =	simm.s32 $0x2C00  }
0xc2: {  	[tilespmem:s16], [sflag:$0x1] =	stream.indirect_vreg.gather [hbm4b:s1+s3], $0x80, v51, vm0, $0xb8;
	[tilespmem:$0x18400] =	vst v63  }
0xc3: {  	v56 =	vperm.xlane v17, v10;
	v55 =	vadd.s32 v3, v54;
	s16 =	simm.s32 $0x3400  }
0xc4: {  	[tilespmem:s16], [sflag:$0x1] =	stream.indirect_vreg.gather [hbm4b:s1+s3], $0x80, v18, vm0, $0xb8;
	[tilespmem:$0x18400] =	vst v63  }
0xc5: {  	v57 =	vperm.xlane v17, v11;
	v18 =	vadd.s32 v3, v56;
	s16 =	simm.s32 $0x3C00  }
0xc6: {  	[tilespmem:s16], [sflag:$0x1] =	stream.indirect_vreg.gather [hbm4b:s1+s3], $0x80, v19, vm0, $0xb8;
	[tilespmem:$0x18400] =	vst v63  }
0xc7: {  	v58 =	vperm.xlane v17, v12;
	v19 =	vadd.s32 v3, v57;
	s16 =	simm.s32 $0x4400  }
0xc8: {  	[tilespmem:s16], [sflag:$0x1] =	stream.indirect_vreg.gather [hbm4b:s1+s3], $0x80, v55, vm0, $0xb8;
	[tilespmem:$0x18400] =	vst v63  }
0xc9: {  	v60 =	vperm.xlane v17, v13;
	v59 =	vadd.s32 v3, v58;
	s16 =	simm.s32 $0x4C00  }
0xca: {  	[tilespmem:s16], [sflag:$0x1] =	stream.indirect_vreg.gather [hbm4b:s1+s3], $0x80, v18, vm0, $0xb8;
	[tilespmem:$0x18400] =	vst v63  }
0xcb: {  	v61 =	vperm.xlane v17, v14;
	v18 =	vadd.s32 v3, v60;
	s16 =	simm.s32 $0x5400  }
0xcc: {  	[tilespmem:s16], [sflag:$0x1] =	stream.indirect_vreg.gather [hbm4b:s1+s3], $0x80, v19, vm0, $0xb8;
	[tilespmem:$0x18400] =	vst v63  }
0xcd: {  	v62 =	vperm.xlane v17, v15;
	v19 =	vadd.s32 v3, v61;
	s16 =	simm.s32 $0x5C00  }
0xce: {  	[tilespmem:s16], [sflag:$0x1] =	stream.indirect_vreg.gather [hbm4b:s1+s3], $0x80, v59, vm0, $0xb8;
	[tilespmem:$0x18400] =	vst v63  }
0xcf: {  	v17 =	vperm.xlane v17, v16;
	v63 =	vadd.s32 v3, v62;
	s16 =	simm.s32 $0x6400  }
0xd0: {  	[tilespmem:s16], [sflag:$0x1] =	stream.indirect_vreg.gather [hbm4b:s1+s3], $0x80, v18, vm0, $0xb8;
	[tilespmem:$0x18400] =	vst v63  }
0xd1: {  	v17 =	vadd.s32 v3, v17;
	s16 =	simm.s32 $0x6C00  }
0xd2: {  	[tilespmem:s16], [sflag:$0x1] =	stream.indirect_vreg.gather [hbm4b:s1+s3], $0x80, v19, vm0, $0xb8;
	[tilespmem:$0x18400] =	vst v63  }
0xd3: {  	s16 =	simm.s32 $0x7400  }
0xd4: {  	[tilespmem:s16], [sflag:$0x1] =	stream.indirect_vreg.gather [hbm4b:s1+s3], $0x80, v63, vm0, $0xb8;
	[tilespmem:$0x18400] =	vst v63  }
0xd5: {  	s16 =	simm.s32 $0x7C00  }
0xd6: {  	[tilespmem:s16], [sflag:$0x1] =	stream.indirect_vreg.gather [hbm4b:s1+s3], $0x80, v17, vm0, $0xb8;
	[tilespmem:$0x18400] =	vst v63  }
0xd7: {  	_ =	swait.ge [sflag:s26], $0x8000  }
0xd8: {  	p0 =	seq.s32 s29, $0x3C000;
	[sflag:s26] =	ssyncset.done $0x0  }
.Ltmp2:
0xd9: {  	[sflag:s26] =	ssyncadd.s32 $0xFFFF8000;
	(pc) =	sbr.rel @p0 .LBB2_4-.Ltmp2, $4  }
0xda: {  	_ =	swait.ge [sflag:s14], $0x8000  }
0xdb: {  	[sflag:s14] =	ssyncset.done $0x0  }
0xdc: {  	s16 =	sadd.s32 s29, s9;
	[sflag:s14] =	ssyncadd.s32 $0xFFFF8000  }
0xdd: {  	[hbm4b:s16+s3] =	stream.linear.scatter [tilespmem:s17], [sflag:$0x6], $0x8000, $0x38;
	[tilespmem:$0x18400] =	vst v63  }
0xde: {  	v17 =	vld [tilespmem:s15+$0x0];
	_ =	sdelay $0x4  }
0xdf: {  	v18 =	vshll.u32 v17, $0x4  }
0xe0: {  	v17 =	vand.u32 $0x7, v17;
	v18 =	vand.u32 $0xFFFFFF80, v18  }
0xe1: {  	v17 =	vor.u32 v17, v18  }
0xe2: {  	v18 =	vperm.xlane v17, v2;
	_ =	sdelay $0x1  }
0xe3: {  	v19 =	vperm.xlane v17, v4;
	v18 =	vadd.s32 v3, v18;
	_ =	sdelay $0x1  }
0xe4: {  	v20 =	vperm.xlane v17, v5;
	v19 =	vadd.s32 v3, v19;
	_ =	sdelay $0x1  }
0xe5: {  	v21 =	vperm.xlane v17, v6;
	v20 =	vadd.s32 v3, v20  }
0xe6: {  	[tilespmem:s28], [sflag:$0x2] =	stream.indirect_vreg.gather [hbm4b:s1+s3], $0x80, v18, vm0, $0xb8;
	[tilespmem:$0x18400] =	vst v63  }
0xe7: {  	s16 =	simm.s32 $0x8C00;
	v49 =	vperm.xlane v17, v1;
	v18 =	vadd.s32 v3, v21  }
0xe8: {  	[tilespmem:s16], [sflag:$0x2] =	stream.indirect_vreg.gather [hbm4b:s1+s3], $0x80, v19, vm0, $0xb8;
	[tilespmem:$0x18400] =	vst v63  }
0xe9: {  	v50 =	vperm.xlane v17, v7;
	v19 =	vadd.s32 v3, v49;
	s16 =	simm.s32 $0x9400  }
0xea: {  	[tilespmem:s16], [sflag:$0x2] =	stream.indirect_vreg.gather [hbm4b:s1+s3], $0x80, v20, vm0, $0xb8;
	[tilespmem:$0x18400] =	vst v63  }
0xeb: {  	v52 =	vperm.xlane v17, v8;
	v51 =	vadd.s32 v3, v50;
	s16 =	simm.s32 $0x9C00  }
0xec: {  	[tilespmem:s16], [sflag:$0x2] =	stream.indirect_vreg.gather [hbm4b:s1+s3], $0x80, v18, vm0, $0xb8;
	[tilespmem:$0x18400] =	vst v63  }
0xed: {  	v53 =	vperm.xlane v17, v0;
	v18 =	vadd.s32 v3, v52;
	s16 =	simm.s32 $0xA400  }
0xee: {  	[tilespmem:s16], [sflag:$0x2] =	stream.indirect_vreg.gather [hbm4b:s1+s3], $0x80, v19, vm0, $0xb8;
	[tilespmem:$0x18400] =	vst v63  }
0xef: {  	v54 =	vperm.xlane v17, v9;
	v19 =	vadd.s32 v3, v53;
	s16 =	simm.s32 $0xAC00  }
0xf0: {  	[tilespmem:s16], [sflag:$0x2] =	stream.indirect_vreg.gather [hbm4b:s1+s3], $0x80, v51, vm0, $0xb8;
	[tilespmem:$0x18400] =	vst v63  }
0xf1: {  	v56 =	vperm.xlane v17, v10;
	v55 =	vadd.s32 v3, v54;
	s16 =	simm.s32 $0xB400  }
0xf2: {  	[tilespmem:s16], [sflag:$0x2] =	stream.indirect_vreg.gather [hbm4b:s1+s3], $0x80, v18, vm0, $0xb8;
	[tilespmem:$0x18400] =	vst v63  }
0xf3: {  	v57 =	vperm.xlane v17, v11;
	v18 =	vadd.s32 v3, v56;
	s16 =	simm.s32 $0xBC00  }
0xf4: {  	[tilespmem:s16], [sflag:$0x2] =	stream.indirect_vreg.gather [hbm4b:s1+s3], $0x80, v19, vm0, $0xb8;
	[tilespmem:$0x18400] =	vst v63  }
0xf5: {  	v58 =	vperm.xlane v17, v12;
	v19 =	vadd.s32 v3, v57;
	s16 =	simm.s32 $0xC400  }
0xf6: {  	[tilespmem:s16], [sflag:$0x2] =	stream.indirect_vreg.gather [hbm4b:s1+s3], $0x80, v55, vm0, $0xb8;
	[tilespmem:$0x18400] =	vst v63  }
0xf7: {  	v60 =	vperm.xlane v17, v13;
	v59 =	vadd.s32 v3, v58;
	s16 =	simm.s32 $0xCC00  }
0xf8: {  	[tilespmem:s16], [sflag:$0x2] =	stream.indirect_vreg.gather [hbm4b:s1+s3], $0x80, v18, vm0, $0xb8;
	[tilespmem:$0x18400] =	vst v63  }
0xf9: {  	v61 =	vperm.xlane v17, v14;
	v18 =	vadd.s32 v3, v60;
	s16 =	simm.s32 $0xD400  }
0xfa: {  	[tilespmem:s16], [sflag:$0x2] =	stream.indirect_vreg.gather [hbm4b:s1+s3], $0x80, v19, vm0, $0xb8;
	[tilespmem:$0x18400] =	vst v63  }
0xfb: {  	v19 =	vadd.s32 v3, v61;
	s16 =	simm.s32 $0xDC00  }
0xfc: {  	v62 =	vperm.xlane v17, v15;
	[tilespmem:s16], [sflag:$0x2] =	stream.indirect_vreg.gather [hbm4b:s1+s3], $0x80, v59, vm0, $0xb8;
	[tilespmem:$0x18400] =	vst v63  }
0xfd: {  	s16 =	simm.s32 $0xE400  }
0xfe: {  	v17 =	vperm.xlane v17, v16;
	v63 =	vadd.s32 v3, v62;
	[tilespmem:s16], [sflag:$0x2] =	stream.indirect_vreg.gather [hbm4b:s1+s3], $0x80, v18, vm0, $0xb8;
	[tilespmem:$0x18400] =	vst v63  }
0xff: {  	s16 =	simm.s32 $0xEC00  }
0x100: {  	v17 =	vadd.s32 v3, v17;
	[tilespmem:s16], [sflag:$0x2] =	stream.indirect_vreg.gather [hbm4b:s1+s3], $0x80, v19, vm0, $0xb8;
	[tilespmem:$0x18400] =	vst v63  }
.Ltmp3:
0x101: {  	_ = 	snop;
	(pc) =	sbr.rel .LBB2_2-.Ltmp3, $4  }
0x102: {  	s16 =	simm.s32 $0xF400  }
0x103: {  	[tilespmem:s16], [sflag:$0x2] =	stream.indirect_vreg.gather [hbm4b:s1+s3], $0x80, v63, vm0, $0xb8;
	[tilespmem:$0x18400] =	vst v63  }
0x104: {  	s29 =	sadd.s32 $0x3000, s29;
	s15 =	sadd.s32 $0x30, s15;
	s16 =	simm.s32 $0xFC00  }
0x105: {  	[tilespmem:s16], [sflag:$0x2] =	stream.indirect_vreg.gather [hbm4b:s1+s3], $0x80, v17, vm0, $0xb8;
	[tilespmem:$0x18400] =	vst v63  }
.LBB2_5:
0x106: {  	_ =	sfence.sel $0x180000  }
0x107: {  	[bflag:$0x0] =	sbarrier.arrive $0xFFFF  }
0x108: {  	_ =	strace $0x90000047  }
0x109: {  	s0 =	stileid.u32;
	[bflag:$0x2] =	sbarrier.arrive $0xFFFF  }
0x10a: {  	p0 =	sne.s32 s0, $0x0;
	s0 =	rddreg [dreg:$0x3]  }
0x10b: {  	s0 =	sadd.s32 @!p0 $0x100000, s0  }
0x10c: {  	[sflag:s0] =	ssyncadd.tile.s32 @!p0 $0x1;
	_ =	shalt  }
.Lfunc_end2:
_tile_overlayer_lowered:
.L_overlay_start_2:
0x10d: {  	(tag) =	ssettag $0x2  }
0x10e: {  	s0 =	rddreg [dreg:$0x0];
	s2 =	stileid.u32  }
0x10f: {  	s1 =	rddreg [dreg:$0x1];
	p0 =	sne.s32 s2, $0x0  }
0x110: {  	s3 =	rddreg [dreg:$0x2];
	[bflag:$0x3] =	sbarrier.arrive $0xFFFF;
	s2 =	simm.s32 @!p0 $0x1C07  }
0x111: {  	[timem:s3], [sflag:s2] =	dma.local @!p0 [hbm:s0], s1  }
0x112: {  	s0 =	simm.s32 @!p0 $0x7  }
0x113: {  	_ =	swait.ge @!p0 [sflag:s0], s1  }
0x114: {  	s1 =	ssub.s32 @!p0 $0x0, s1;
	[sflag:s0] =	ssyncset.done @!p0 $0x0  }
0x115: {  	[sflag:s0] =	ssyncadd.s32 @!p0 s1  }
0x116: {  	[bflag:$0x3] =	sbarrier.arrive $0xFFFF  }
0x117: {  	_ =	shalt  }

</sc_bundles>
